<compile_context>
chip_gen: v7x
topology: tpu7x:2x2x1
jax: 0.10.2.dev20260603
libtpu: 0.0.44.dev20260713+nightly
codegen_flags: <defaults>
</compile_context>

<pallas_src>
import functools

import jax
import jax.numpy as jnp
import numpy as np
from jax import lax
from jax.experimental import pallas as pl
from jax.experimental.pallas import tpu as pltpu
from jax.experimental.pallas import tpu_sc as plsc

NC = 2
NS = 16
CHUNK = 125

_LOG2 = float(np.log(2.0))


def _k1_body(x_ref, w_ref, o_ref):
    o_ref[...] = jnp.dot(x_ref[...], w_ref[...], preferred_element_type=jnp.float32)


def _matmul_xw1(x, W1, block_rows):
    n, feat = x.shape
    emb = W1.shape[1]
    grid = (n // block_rows,)
    return pl.pallas_call(
        _k1_body,
        grid=grid,
        in_specs=[
            pl.BlockSpec((block_rows, feat), lambda i: (i, 0)),
            pl.BlockSpec((feat, emb), lambda i: (0, 0)),
        ],
        out_specs=pl.BlockSpec((block_rows, emb), lambda i: (i, 0)),
        out_shape=jax.ShapeDtypeStruct((n, emb), jnp.float32),
    )(x, W1)


def _sc_scatter(y_rows_in, ei3, zeros_acc):
    n_acc, emb = y_rows_in.shape
    ch = ei3.shape[1]
    ch_t = ch // NC // NS
    rows_per_tile = n_acc // NS
    mesh = plsc.VectorSubcoreMesh(
        core_axis_name="c", subcore_axis_name="s", num_cores=NC, num_subcores=NS
    )

    @functools.partial(
        pl.kernel,
        out_type=jax.ShapeDtypeStruct((NC, n_acc, emb), jnp.float32),
        mesh=mesh,
        compiler_params=pltpu.CompilerParams(use_tc_tiling_on_sc=False),
        scratch_types=[
            pltpu.VMEM((ch_t, CHUNK), jnp.int32),
            pltpu.VMEM((ch_t, CHUNK), jnp.int32),
            pltpu.VMEM((CHUNK, emb), jnp.float32),
            pltpu.VMEM_SHARED((n_acc, emb), jnp.float32),
            pltpu.SemaphoreType.DMA,
        ],
    )
    def k(y_hbm, ei_hbm, z_hbm, out_hbm, src_v, dst_v, rows0, acc, sem0):
        c = lax.axis_index("c")
        s = lax.axis_index("s")
        t = c * NS + s
        base = s * rows_per_tile
        y_rows = y_hbm
        acc_rows = acc

        @pl.when(s == 0)
        def _():
            pltpu.sync_copy(z_hbm, acc)

        pltpu.sync_copy(ei_hbm.at[0].at[pl.ds(t * ch_t, ch_t)], src_v)
        pltpu.sync_copy(ei_hbm.at[1].at[pl.ds(t * ch_t, ch_t)], dst_v)
        plsc.subcore_barrier()

        def body(j, _):
            pltpu.async_copy(y_rows.at[src_v.at[j]], rows0, sem0).wait()
            pltpu.sync_copy(rows0, acc_rows.at[dst_v.at[j]], add=True)
            return 0

        lax.fori_loop(0, ch_t, body, 0, unroll=False)
        plsc.subcore_barrier()

        pltpu.sync_copy(
            acc.at[pl.ds(base, rows_per_tile)],
            out_hbm.at[c].at[pl.ds(base, rows_per_tile)],
        )

    return k(y_rows_in, ei3, zeros_acc)


def _ff_block(z, Wa, ba, Wb, bb, Wc, bc, Ws, bs):
    t = jnp.maximum(jnp.dot(z, Wa, preferred_element_type=jnp.float32) + ba, 0.0)
    t = jnp.maximum(jnp.dot(t, Wb, preferred_element_type=jnp.float32) + bb, 0.0)
    t = jnp.maximum(jnp.dot(t, Wc, preferred_element_type=jnp.float32) + bc, 0.0)
    return t + jnp.dot(z, Ws, preferred_element_type=jnp.float32) + bs


def _k23_body(n_nodes, n_graphs, half_rows, emb,
              p0_ref, p1_ref, y_ref, gid_ref, w2_ref, b2_ref, b1_ref,
              lwa_ref, lba_ref, lwb_ref, lbb_ref, lwc_ref, lbc_ref, lws_ref,
              lbs_ref, gwa_ref, gba_ref, gwb_ref, gbb_ref, gwc_ref, gbc_ref,
              gws_ref, gbs_ref, out_ref, lenc_scr, gh_scr, genc_scr):
    p = pl.program_id(0)
    i = pl.program_id(1)

    @pl.when(p == 0)
    def _():
        h1 = jnp.maximum(
            p0_ref[...] + p1_ref[...] + y_ref[...] + b1_ref[...], 0.0)
        h2 = (jnp.dot(h1, w2_ref[...], preferred_element_type=jnp.float32)
              + b2_ref[...])
        lh = jnp.maximum(h2, 0.0)
        lenc_scr[pl.ds(i * half_rows, half_rows), :] = _ff_block(
            lh, lwa_ref[...], lba_ref[...], lwb_ref[...], lbb_ref[...],
            lwc_ref[...], lbc_ref[...], lws_ref[...], lbs_ref[...])
        gid = gid_ref[...]
        iot = lax.broadcasted_iota(jnp.int32, (half_rows, n_graphs), 1)
        oh_e = (gid[:, 0:1] == iot).astype(jnp.float32)
        oh_o = (gid[:, 1:2] == iot).astype(jnp.float32)
        contrib = (
            lax.dot_general(oh_e, lh[:, :emb], (((0,), (0,)), ((), ())),
                            preferred_element_type=jnp.float32)
            + lax.dot_general(oh_o, lh[:, emb:], (((0,), (0,)), ((), ())),
                              preferred_element_type=jnp.float32))

        @pl.when(i == 0)
        def _():
            gh_scr[...] = contrib

        @pl.when(i != 0)
        def _():
            gh_scr[...] += contrib

    @pl.when(p == 1)
    def _():
        @pl.when(i == 0)
        def _():
            genc_scr[...] = _ff_block(
                gh_scr[...], gwa_ref[...], gba_ref[...], gwb_ref[...],
                gbb_ref[...], gwc_ref[...], gbc_ref[...], gws_ref[...],
                gbs_ref[...])
            out_ref[0, 0] = 0.0

        lenc = lenc_scr[pl.ds(i * half_rows, half_rows), :]
        gid = gid_ref[...]
        genc = genc_scr[...]
        iot = lax.broadcasted_iota(jnp.int32, (half_rows, n_graphs), 1)
        acc = jnp.zeros((), jnp.float32)
        for lo, hi, col in ((0, emb, 0), (emb, 2 * emb, 1)):
            res = lax.dot_general(lenc[:, lo:hi], genc,
                                  (((1,), (1,)), ((), ())),
                                  preferred_element_type=jnp.float32)
            pos = gid[:, col:col + 1] == iot
            soft = jnp.log1p(jnp.exp(-jnp.abs(res)))
            sp_m = jnp.maximum(-res, 0.0) + soft
            sp_p = jnp.maximum(res, 0.0) + soft
            neg_c = jnp.where(pos, 0.0, sp_p - _LOG2)
            pos_c = jnp.where(pos, _LOG2 - sp_m, 0.0)
            acc += (jnp.sum(neg_c) / (n_nodes * (n_graphs - 1))
                    - jnp.sum(pos_c) / n_nodes)
        out_ref[0, 0] += acc


def _k23(p0, p1, y, gid2, W2d, b2d, b1d, lWad, lbad, lWbd, lbbd, lWcd, lbcd,
         lWsd, lbsd, gWa, gbar, gWb, gbbr, gWc, gbcr, gWs, gbsr,
         n_nodes, n_graphs, block_rows):
    half, twoemb = y.shape
    emb = twoemb // 2
    half_rows = block_rows // 2
    nb = half // half_rows
    grid = (2, nb)
    row_spec = pl.BlockSpec((half_rows, twoemb), lambda p, i: (i * (1 - p), 0))
    gid_spec = pl.BlockSpec((half_rows, 2), lambda p, i: (i, 0))
    wd_spec = pl.BlockSpec((twoemb, twoemb), lambda p, i: (0, 0))
    bd_spec = pl.BlockSpec((1, twoemb), lambda p, i: (0, 0))
    w_spec = pl.BlockSpec((emb, emb), lambda p, i: (0, 0))
    b_spec = pl.BlockSpec((1, emb), lambda p, i: (0, 0))
    return pl.pallas_call(
        functools.partial(_k23_body, n_nodes, n_graphs, half_rows, emb),
        grid=grid,
        in_specs=[
            row_spec, row_spec, row_spec, gid_spec,
            wd_spec, bd_spec, bd_spec,
            wd_spec, bd_spec, wd_spec, bd_spec, wd_spec, bd_spec, wd_spec,
            bd_spec,
            w_spec, b_spec, w_spec, b_spec, w_spec, b_spec, w_spec, b_spec,
        ],
        out_specs=pl.BlockSpec(memory_space=pltpu.SMEM),
        out_shape=jax.ShapeDtypeStruct((1, 1), jnp.float32),
        scratch_shapes=[
            pltpu.VMEM((half, twoemb), jnp.float32),
            pltpu.VMEM((n_graphs, emb), jnp.float32),
            pltpu.VMEM((n_graphs, emb), jnp.float32),
        ],
    )(p0, p1, y, gid2, W2d, b2d, b1d, lWad, lbad, lWbd, lbbd, lWcd, lbcd,
      lWsd, lbsd, gWa, gbar, gWb, gbbr, gWc, gbcr, gWs, gbsr)


def kernel(x, edge_index, graph_id, W1, b1, W2, b2, lWa, lba, lWb, lbb, lWc,
           lbc, lWs, lbs, gWa, gba, gWb, gbb, gWc, gbc, gWs, gbs):
    n_nodes, feat = x.shape
    emb = W1.shape[1]
    n_graphs = 128
    n_edges = edge_index.shape[1]

    block_rows = 2000
    k1_block = 5000

    n_chunks = n_edges // CHUNK
    ei3 = edge_index.reshape(2, n_chunks, CHUNK)

    y = _matmul_xw1(x, W1, k1_block)
    zeros_acc = jnp.zeros((n_nodes, emb), jnp.float32)
    partials = _sc_scatter(y, ei3, zeros_acc)

    half = n_nodes // 2
    y_p = y.reshape(half, 2 * emb)
    pp = partials.reshape(NC, half, 2 * emb)
    gid2 = graph_id.reshape(half, 2)

    def bd(w):
        z = jnp.zeros_like(w)
        return jnp.concatenate(
            [jnp.concatenate([w, z], 1), jnp.concatenate([z, w], 1)], 0)

    def b2x(b):
        return jnp.concatenate([b, b])[None, :]

    out = _k23(pp[0], pp[1], y_p, gid2, bd(W2), b2x(b2), b2x(b1),
               bd(lWa), b2x(lba), bd(lWb), b2x(lbb), bd(lWc), b2x(lbc),
               bd(lWs), b2x(lbs), gWa, gba[None, :], gWb, gbb[None, :],
               gWc, gbc[None, :], gWs, gbs[None, :], n_nodes, n_graphs,
               block_rows)
    return out[0, 0]

# --- scband reference (transcript-rebuilt; emitter-appended) ---
"""Pipeline reference for scband-info-graph-pipeline-87548613361801 (READ-ONLY COPY).

The authoritative reference and input builder live on the scoring server;
editing this copy changes nothing except your own understanding.
"""

import jax, jax.numpy as jnp
import numpy as np

N_NODES = 10000
N_EDGES = 320000
FEAT = 128
EMB = 64
N_GRAPHS = 128


def _lin(k, i, o):
    return (jax.random.normal(k, (i, o), dtype=jnp.float32) / np.sqrt(i)).astype(jnp.float32)


def setup_inputs(seed: int = 0) -> dict:
    key = jax.random.key(seed)
    ks = jax.random.split(key, 16)
    inp = {}
    inp['x'] = jax.random.normal(ks[0], (N_NODES, FEAT), dtype=jnp.float32)
    inp['edge_index'] = jax.random.randint(ks[1], (2, N_EDGES), 0, N_NODES, dtype=jnp.int32)
    inp['graph_id'] = jnp.sort(jax.random.randint(ks[2], (N_NODES,), 0, N_GRAPHS, dtype=jnp.int32))
    # GIN MLP params (1 layer encoder)
    inp['W1'] = _lin(ks[3], FEAT, EMB); inp['b1'] = jnp.zeros((EMB,), jnp.float32)
    inp['W2'] = _lin(ks[4], EMB, EMB); inp['b2'] = jnp.zeros((EMB,), jnp.float32)
    # local discriminator FF (3-layer MLP + linear shortcut)
    inp['lWa'] = _lin(ks[5], EMB, EMB); inp['lba'] = jnp.zeros((EMB,), jnp.float32)
    inp['lWb'] = _lin(ks[6], EMB, EMB); inp['lbb'] = jnp.zeros((EMB,), jnp.float32)
    inp['lWc'] = _lin(ks[7], EMB, EMB); inp['lbc'] = jnp.zeros((EMB,), jnp.float32)
    inp['lWs'] = _lin(ks[8], EMB, EMB); inp['lbs'] = jnp.zeros((EMB,), jnp.float32)
    # global discriminator FF
    inp['gWa'] = _lin(ks[9], EMB, EMB); inp['gba'] = jnp.zeros((EMB,), jnp.float32)
    inp['gWb'] = _lin(ks[10], EMB, EMB); inp['gbb'] = jnp.zeros((EMB,), jnp.float32)
    inp['gWc'] = _lin(ks[11], EMB, EMB); inp['gbc'] = jnp.zeros((EMB,), jnp.float32)
    inp['gWs'] = _lin(ks[12], EMB, EMB); inp['gbs'] = jnp.zeros((EMB,), jnp.float32)
    return inp


def _ff(z, Wa, ba, Wb, bb, Wc, bc, Ws, bs):
    t = jnp.maximum(z @ Wa + ba, 0.0)
    t = jnp.maximum(t @ Wb + bb, 0.0)
    t = jnp.maximum(t @ Wc + bc, 0.0)
    return t + (z @ Ws + bs)


def reference(x, edge_index, graph_id, W1, b1, W2, b2, lWa, lba, lWb, lbb, lWc, lbc, lWs, lbs, gWa, gba, gWb, gbb, gWc, gbc, gWs, gbs):
    src = edge_index[0]
    dst = edge_index[1]
    # GINConv with eps=0, sum aggregation: h = MLP(x + sum_{j in N(i)} x_j)
    agg = jnp.zeros_like(x).at[dst].add(x[src])
    h = agg + x
    h = jnp.maximum(h @ W1 + b1, 0.0)
    h = h @ W2 + b2
    local_h = jnp.maximum(h, 0.0)  # [N, EMB]
    # graph-level readout: sum_nodes per graph (dgl.sum_nodes on batched graph)
    global_h = jax.ops.segment_sum(local_h, graph_id, num_segments=N_GRAPHS)  # [G, EMB]
    l_enc = _ff(local_h, lWa, lba, lWb, lbb, lWc, lbc, lWs, lbs)
    g_enc = _ff(global_h, gWa, gba, gWb, gbb, gWc, gbc, gWs, gbs)
    res = l_enc @ g_enc.T  # [N, G]
    pos_mask = (graph_id[:, None] == jnp.arange(N_GRAPHS, dtype=graph_id.dtype)[None, :]).astype(res.dtype)
    neg_mask = 1.0 - pos_mask
    log2 = jnp.log(2.0)
    sp = lambda v: jnp.logaddexp(v, 0.0)
    p = res * pos_mask
    q = res * neg_mask
    E_pos = jnp.sum(log2 - sp(-p)) / N_NODES
    E_neg = jnp.sum(sp(-q) + q - log2) / (N_NODES * (N_GRAPHS - 1))
    return E_neg - E_pos

if __name__ == "__main__":
    import jax
    _d = setup_inputs()
    print(jax.jit(kernel)(*tuple(_d.values())))

</pallas_src>

<mosaic_0001>
#map = affine_map<(d0, d1) -> (0, 0)>
#map1 = affine_map<(d0, d1) -> (0, 0, 0)>
module attributes {stable_mosaic.version = 14 : i64} {
  func.func @k(%arg0: i32, %arg1: i32, %arg2: memref<10000x64xf32, #tpu.memory_space<hbm>>, %arg3: memref<2x2560x125xi32, #tpu.memory_space<hbm>>, %arg4: memref<10000x64xf32, #tpu.memory_space<hbm>>, %arg5: memref<2x10000x64xf32, #tpu.memory_space<hbm>>, %arg6: memref<80x125xi32, #tpu.memory_space<vmem>>, %arg7: memref<80x125xi32, #tpu.memory_space<vmem>>, %arg8: memref<125x64xf32, #tpu.memory_space<vmem>>, %arg9: memref<10000x64xf32, #tpu.memory_space<vmem_shared>>, %arg10: memref<!tpu.dma_semaphore, #tpu.memory_space<semaphore_mem>>) attributes {dimension_semantics = [#tpu.dimension_semantics<core_parallel>, #tpu.dimension_semantics<subcore_parallel>], iteration_bounds = array<i64: 2, 16>, scalar_prefetch = 0 : i64, scratch_operands = 5 : i64, tpu.core_type = #tpu.core_type<sc_vector_subcore>, window_params = [{transform_indices = #map}, {transform_indices = #map1}, {transform_indices = #map}, {transform_indices = #map1}]} {
    %mul3A = arith.constant 16 : i32
    %mul3A_0 = arith.muli %arg0, %mul3A : i32
    %add3A = arith.addi %mul3A_0, %arg1 : i32
    %mul3A_1 = arith.constant 625 : i32
    %mul3A_2 = arith.muli %arg1, %mul3A_1 : i32
    %eq3A = arith.constant 0 : i32
    %eq3A_3 = arith.cmpi eq, %arg1, %eq3A : i32
    %convert_element_type3A = arith.extui %eq3A_3 : i1 to i32
    %cond3A = arith.constant 0 : i32
    %cond3A_4 = arith.cmpi ne, %convert_element_type3A, %cond3A : i32
    scf.if %cond3A_4 {
      "tpu.region"() ({
        %run_scoped3A_17 = tpu.sem_alloc : memref<!tpu.dma_semaphore, #tpu.memory_space<semaphore_mem>>
        tpu.enqueue_dma source(%arg4 : memref<10000x64xf32, #tpu.memory_space<hbm>>) target(%arg9 : memref<10000x64xf32, #tpu.memory_space<vmem_shared>>) target_semaphore(%run_scoped3A_17 : memref<!tpu.dma_semaphore, #tpu.memory_space<semaphore_mem>>)
        tpu.wait_dma2 semaphore(%run_scoped3A_17 : memref<!tpu.dma_semaphore, #tpu.memory_space<semaphore_mem>>) src(%arg4 : memref<10000x64xf32, #tpu.memory_space<hbm>>) dst(%arg9 : memref<10000x64xf32, #tpu.memory_space<vmem_shared>>)
        tpu.yield
      }) : () -> ()
    } else {
    }
    %mul3A_5 = arith.constant 80 : i32
    %mul3A_6 = arith.muli %add3A, %mul3A_5 : i32
    %run_scoped3A = arith.constant 0 : i32
    "tpu.region"() ({
      %run_scoped3A_17 = tpu.sem_alloc : memref<!tpu.dma_semaphore, #tpu.memory_space<semaphore_mem>>
      %dma_start3A = arith.constant 0 : i32
      %dma_start3A_18 = arith.constant 0 : i32
      %dma_start3A_19 = tpu.memref_slice %arg3[%run_scoped3A, %dma_start3A, %dma_start3A_18] : memref<2x2560x125xi32, #tpu.memory_space<hbm>> -> memref<1x2560x125xi32, #tpu.memory_space<hbm>>
      %dma_start3A_20 = tpu.memref_squeeze %dma_start3A_19 : memref<1x2560x125xi32, #tpu.memory_space<hbm>> -> memref<2560x125xi32, #tpu.memory_space<hbm>>
      %dma_start3A_21 = arith.constant 0 : i32
      %dma_start3A_22 = tpu.memref_slice %dma_start3A_20[%mul3A_6, %dma_start3A_21] : memref<2560x125xi32, #tpu.memory_space<hbm>> -> memref<80x125xi32, #tpu.memory_space<hbm>>
      %dma_start3A_23 = arith.constant 0 : i32
      %dma_start3A_24 = arith.constant 0 : i32
      %dma_start3A_25 = tpu.memref_slice %arg3[%run_scoped3A, %dma_start3A_23, %dma_start3A_24] : memref<2x2560x125xi32, #tpu.memory_space<hbm>> -> memref<1x2560x125xi32, #tpu.memory_space<hbm>>
      %dma_start3A_26 = tpu.memref_squeeze %dma_start3A_25 : memref<1x2560x125xi32, #tpu.memory_space<hbm>> -> memref<2560x125xi32, #tpu.memory_space<hbm>>
      %dma_start3A_27 = arith.constant 0 : i32
      %dma_start3A_28 = tpu.memref_slice %dma_start3A_26[%mul3A_6, %dma_start3A_27] : memref<2560x125xi32, #tpu.memory_space<hbm>> -> memref<80x125xi32, #tpu.memory_space<hbm>>
      tpu.enqueue_dma source(%dma_start3A_28 : memref<80x125xi32, #tpu.memory_space<hbm>>) target(%arg6 : memref<80x125xi32, #tpu.memory_space<vmem>>) target_semaphore(%run_scoped3A_17 : memref<!tpu.dma_semaphore, #tpu.memory_space<semaphore_mem>>)
      %dma_wait3A = arith.constant 0 : i32
      %dma_wait3A_29 = arith.constant 0 : i32
      %dma_wait3A_30 = tpu.memref_slice %arg3[%run_scoped3A, %dma_wait3A, %dma_wait3A_29] : memref<2x2560x125xi32, #tpu.memory_space<hbm>> -> memref<1x2560x125xi32, #tpu.memory_space<hbm>>
      %dma_wait3A_31 = tpu.memref_squeeze %dma_wait3A_30 : memref<1x2560x125xi32, #tpu.memory_space<hbm>> -> memref<2560x125xi32, #tpu.memory_space<hbm>>
      %dma_wait3A_32 = arith.constant 0 : i32
      %dma_wait3A_33 = tpu.memref_slice %dma_wait3A_31[%mul3A_6, %dma_wait3A_32] : memref<2560x125xi32, #tpu.memory_space<hbm>> -> memref<80x125xi32, #tpu.memory_space<hbm>>
      %dma_wait3A_34 = arith.constant 0 : i32
      %dma_wait3A_35 = arith.constant 0 : i32
      %dma_wait3A_36 = tpu.memref_slice %arg3[%run_scoped3A, %dma_wait3A_34, %dma_wait3A_35] : memref<2x2560x125xi32, #tpu.memory_space<hbm>> -> memref<1x2560x125xi32, #tpu.memory_space<hbm>>
      %dma_wait3A_37 = tpu.memref_squeeze %dma_wait3A_36 : memref<1x2560x125xi32, #tpu.memory_space<hbm>> -> memref<2560x125xi32, #tpu.memory_space<hbm>>
      %dma_wait3A_38 = arith.constant 0 : i32
      %dma_wait3A_39 = tpu.memref_slice %dma_wait3A_37[%mul3A_6, %dma_wait3A_38] : memref<2560x125xi32, #tpu.memory_space<hbm>> -> memref<80x125xi32, #tpu.memory_space<hbm>>
      tpu.wait_dma2 semaphore(%run_scoped3A_17 : memref<!tpu.dma_semaphore, #tpu.memory_space<semaphore_mem>>) src(%dma_wait3A_39 : memref<80x125xi32, #tpu.memory_space<hbm>>) dst(%arg6 : memref<80x125xi32, #tpu.memory_space<vmem>>)
      tpu.yield
    }) : () -> ()
    %mul3A_7 = arith.constant 80 : i32
    %mul3A_8 = arith.muli %add3A, %mul3A_7 : i32
    %run_scoped3A_9 = arith.constant 1 : i32
    "tpu.region"() ({
      %run_scoped3A_17 = tpu.sem_alloc : memref<!tpu.dma_semaphore, #tpu.memory_space<semaphore_mem>>
      %dma_start3A = arith.constant 0 : i32
      %dma_start3A_18 = arith.constant 0 : i32
      %dma_start3A_19 = tpu.memref_slice %arg3[%run_scoped3A_9, %dma_start3A, %dma_start3A_18] : memref<2x2560x125xi32, #tpu.memory_space<hbm>> -> memref<1x2560x125xi32, #tpu.memory_space<hbm>>
      %dma_start3A_20 = tpu.memref_squeeze %dma_start3A_19 : memref<1x2560x125xi32, #tpu.memory_space<hbm>> -> memref<2560x125xi32, #tpu.memory_space<hbm>>
      %dma_start3A_21 = arith.constant 0 : i32
      %dma_start3A_22 = tpu.memref_slice %dma_start3A_20[%mul3A_8, %dma_start3A_21] : memref<2560x125xi32, #tpu.memory_space<hbm>> -> memref<80x125xi32, #tpu.memory_space<hbm>>
      %dma_start3A_23 = arith.constant 0 : i32
      %dma_start3A_24 = arith.constant 0 : i32
      %dma_start3A_25 = tpu.memref_slice %arg3[%run_scoped3A_9, %dma_start3A_23, %dma_start3A_24] : memref<2x2560x125xi32, #tpu.memory_space<hbm>> -> memref<1x2560x125xi32, #tpu.memory_space<hbm>>
      %dma_start3A_26 = tpu.memref_squeeze %dma_start3A_25 : memref<1x2560x125xi32, #tpu.memory_space<hbm>> -> memref<2560x125xi32, #tpu.memory_space<hbm>>
      %dma_start3A_27 = arith.constant 0 : i32
      %dma_start3A_28 = tpu.memref_slice %dma_start3A_26[%mul3A_8, %dma_start3A_27] : memref<2560x125xi32, #tpu.memory_space<hbm>> -> memref<80x125xi32, #tpu.memory_space<hbm>>
      tpu.enqueue_dma source(%dma_start3A_28 : memref<80x125xi32, #tpu.memory_space<hbm>>) target(%arg7 : memref<80x125xi32, #tpu.memory_space<vmem>>) target_semaphore(%run_scoped3A_17 : memref<!tpu.dma_semaphore, #tpu.memory_space<semaphore_mem>>)
      %dma_wait3A = arith.constant 0 : i32
      %dma_wait3A_29 = arith.constant 0 : i32
      %dma_wait3A_30 = tpu.memref_slice %arg3[%run_scoped3A_9, %dma_wait3A, %dma_wait3A_29] : memref<2x2560x125xi32, #tpu.memory_space<hbm>> -> memref<1x2560x125xi32, #tpu.memory_space<hbm>>
      %dma_wait3A_31 = tpu.memref_squeeze %dma_wait3A_30 : memref<1x2560x125xi32, #tpu.memory_space<hbm>> -> memref<2560x125xi32, #tpu.memory_space<hbm>>
      %dma_wait3A_32 = arith.constant 0 : i32
      %dma_wait3A_33 = tpu.memref_slice %dma_wait3A_31[%mul3A_8, %dma_wait3A_32] : memref<2560x125xi32, #tpu.memory_space<hbm>> -> memref<80x125xi32, #tpu.memory_space<hbm>>
      %dma_wait3A_34 = arith.constant 0 : i32
      %dma_wait3A_35 = arith.constant 0 : i32
      %dma_wait3A_36 = tpu.memref_slice %arg3[%run_scoped3A_9, %dma_wait3A_34, %dma_wait3A_35] : memref<2x2560x125xi32, #tpu.memory_space<hbm>> -> memref<1x2560x125xi32, #tpu.memory_space<hbm>>
      %dma_wait3A_37 = tpu.memref_squeeze %dma_wait3A_36 : memref<1x2560x125xi32, #tpu.memory_space<hbm>> -> memref<2560x125xi32, #tpu.memory_space<hbm>>
      %dma_wait3A_38 = arith.constant 0 : i32
      %dma_wait3A_39 = tpu.memref_slice %dma_wait3A_37[%mul3A_8, %dma_wait3A_38] : memref<2560x125xi32, #tpu.memory_space<hbm>> -> memref<80x125xi32, #tpu.memory_space<hbm>>
      tpu.wait_dma2 semaphore(%run_scoped3A_17 : memref<!tpu.dma_semaphore, #tpu.memory_space<semaphore_mem>>) src(%dma_wait3A_39 : memref<80x125xi32, #tpu.memory_space<hbm>>) dst(%arg7 : memref<80x125xi32, #tpu.memory_space<vmem>>)
      tpu.yield
    }) : () -> ()
    %barrier3A = arith.constant 0 : index
    tpu.barrier barrier_id(%barrier3A)
    %scan3A = arith.constant 0 : i32
    %scan3A_10 = arith.constant 0 : i32
    %scan3A_11 = arith.constant 80 : i32
    %scan3A_12 = arith.addi %scan3A_10, %scan3A_11 : i32
    %scan3A_13 = arith.constant 1 : i32
    %scan3A_14 = scf.for %scan3A_17 = %scan3A_10 to %scan3A_12 step %scan3A_13 iter_args(%scan3A_18 = %scan3A) -> (i32)  : i32 {
      %dma_start3A = arith.constant 0 : i32
      %dma_start3A_19 = tpu.memref_slice %arg6[%scan3A_17, %dma_start3A] : memref<80x125xi32, #tpu.memory_space<vmem>> -> memref<1x125xi32, #tpu.memory_space<vmem>>
      %dma_start3A_20 = tpu.memref_squeeze %dma_start3A_19 : memref<1x125xi32, #tpu.memory_space<vmem>> -> memref<125xi32, #tpu.memory_space<vmem>>
      %dma_start3A_21 = arith.constant 0 : i32
      %dma_start3A_22 = arith.constant 0 : i32
      %dma_start3A_23 = tpu.memref_slice %arg2[%dma_start3A_21, %dma_start3A_22] : memref<10000x64xf32, #tpu.memory_space<hbm>> -> memref<10000x64xf32, #tpu.memory_space<hbm>>
      tpu.enqueue_indirect_dma source(%dma_start3A_23 : memref<10000x64xf32, #tpu.memory_space<hbm>>) target(%arg8 : memref<125x64xf32, #tpu.memory_space<vmem>>) offsets(%dma_start3A_20 : memref<125xi32, #tpu.memory_space<vmem>>) semaphore(%arg10 : memref<!tpu.dma_semaphore, #tpu.memory_space<semaphore_mem>>)
      %dma_wait3A = arith.constant 0 : i32
      %dma_wait3A_24 = tpu.memref_slice %arg6[%scan3A_17, %dma_wait3A] : memref<80x125xi32, #tpu.memory_space<vmem>> -> memref<1x125xi32, #tpu.memory_space<vmem>>
      %dma_wait3A_25 = tpu.memref_squeeze %dma_wait3A_24 : memref<1x125xi32, #tpu.memory_space<vmem>> -> memref<125xi32, #tpu.memory_space<vmem>>
      %dma_wait3A_26 = arith.constant 0 : i32
      %dma_wait3A_27 = arith.constant 0 : i32
      %dma_wait3A_28 = tpu.memref_slice %arg2[%dma_wait3A_26, %dma_wait3A_27] : memref<10000x64xf32, #tpu.memory_space<hbm>> -> memref<10000x64xf32, #tpu.memory_space<hbm>>
      tpu.wait_indirect_dma semaphore(%arg10 : memref<!tpu.dma_semaphore, #tpu.memory_space<semaphore_mem>>) src(%dma_wait3A_28 : memref<10000x64xf32, #tpu.memory_space<hbm>>) dst(%arg8 : memref<125x64xf32, #tpu.memory_space<vmem>>)
      "tpu.region"() ({
        %run_scoped3A_30 = tpu.sem_alloc : memref<!tpu.dma_semaphore, #tpu.memory_space<semaphore_mem>>
        %dma_start3A_31 = arith.constant 0 : i32
        %dma_start3A_32 = tpu.memref_slice %arg7[%scan3A_17, %dma_start3A_31] : memref<80x125xi32, #tpu.memory_space<vmem>> -> memref<1x125xi32, #tpu.memory_space<vmem>>
        %dma_start3A_33 = tpu.memref_squeeze %dma_start3A_32 : memref<1x125xi32, #tpu.memory_space<vmem>> -> memref<125xi32, #tpu.memory_space<vmem>>
        %dma_start3A_34 = arith.constant 0 : i32
        %dma_start3A_35 = arith.constant 0 : i32
        %dma_start3A_36 = tpu.memref_slice %arg9[%dma_start3A_34, %dma_start3A_35] : memref<10000x64xf32, #tpu.memory_space<vmem_shared>> -> memref<10000x64xf32, #tpu.memory_space<vmem_shared>>
        tpu.enqueue_indirect_dma source(%arg8 : memref<125x64xf32, #tpu.memory_space<vmem>>) target(%dma_start3A_36 : memref<10000x64xf32, #tpu.memory_space<vmem_shared>>) offsets(%dma_start3A_33 : memref<125xi32, #tpu.memory_space<vmem>>) semaphore(%run_scoped3A_30 : memref<!tpu.dma_semaphore, #tpu.memory_space<semaphore_mem>>) {add = true}
        %dma_wait3A_37 = arith.constant 0 : i32
        %dma_wait3A_38 = tpu.memref_slice %arg7[%scan3A_17, %dma_wait3A_37] : memref<80x125xi32, #tpu.memory_space<vmem>> -> memref<1x125xi32, #tpu.memory_space<vmem>>
        %dma_wait3A_39 = tpu.memref_squeeze %dma_wait3A_38 : memref<1x125xi32, #tpu.memory_space<vmem>> -> memref<125xi32, #tpu.memory_space<vmem>>
        %dma_wait3A_40 = arith.constant 0 : i32
        %dma_wait3A_41 = arith.constant 0 : i32
        %dma_wait3A_42 = tpu.memref_slice %arg9[%dma_wait3A_40, %dma_wait3A_41] : memref<10000x64xf32, #tpu.memory_space<vmem_shared>> -> memref<10000x64xf32, #tpu.memory_space<vmem_shared>>
        tpu.wait_indirect_dma semaphore(%run_scoped3A_30 : memref<!tpu.dma_semaphore, #tpu.memory_space<semaphore_mem>>) src(%arg8 : memref<125x64xf32, #tpu.memory_space<vmem>>) dst(%dma_wait3A_42 : memref<10000x64xf32, #tpu.memory_space<vmem_shared>>)
        tpu.yield
      }) : () -> ()
      %scan3A_29 = arith.constant 0 : i32
      scf.yield %scan3A_29 : i32
    }
    %scan3A_15 = arith.constant 80 : i32
    %barrier3A_16 = arith.constant 0 : index
    tpu.barrier barrier_id(%barrier3A_16)
    "tpu.region"() ({
      %run_scoped3A_17 = tpu.sem_alloc : memref<!tpu.dma_semaphore, #tpu.memory_space<semaphore_mem>>
      %dma_start3A = arith.constant 0 : i32
      %dma_start3A_18 = arith.constant 0 : i32
      %dma_start3A_19 = tpu.memref_slice %arg5[%arg0, %dma_start3A, %dma_start3A_18] : memref<2x10000x64xf32, #tpu.memory_space<hbm>> -> memref<1x10000x64xf32, #tpu.memory_space<hbm>>
      %dma_start3A_20 = tpu.memref_squeeze %dma_start3A_19 : memref<1x10000x64xf32, #tpu.memory_space<hbm>> -> memref<10000x64xf32, #tpu.memory_space<hbm>>
      %dma_start3A_21 = arith.constant 0 : i32
      %dma_start3A_22 = tpu.memref_slice %dma_start3A_20[%mul3A_2, %dma_start3A_21] : memref<10000x64xf32, #tpu.memory_space<hbm>> -> memref<625x64xf32, #tpu.memory_space<hbm>>
      %dma_start3A_23 = arith.constant 0 : i32
      %dma_start3A_24 = tpu.memref_slice %arg9[%mul3A_2, %dma_start3A_23] : memref<10000x64xf32, #tpu.memory_space<vmem_shared>> -> memref<625x64xf32, #tpu.memory_space<vmem_shared>>
      tpu.enqueue_dma source(%dma_start3A_24 : memref<625x64xf32, #tpu.memory_space<vmem_shared>>) target(%dma_start3A_22 : memref<625x64xf32, #tpu.memory_space<hbm>>) target_semaphore(%run_scoped3A_17 : memref<!tpu.dma_semaphore, #tpu.memory_space<semaphore_mem>>)
      %dma_wait3A = arith.constant 0 : i32
      %dma_wait3A_25 = arith.constant 0 : i32
      %dma_wait3A_26 = tpu.memref_slice %arg5[%arg0, %dma_wait3A, %dma_wait3A_25] : memref<2x10000x64xf32, #tpu.memory_space<hbm>> -> memref<1x10000x64xf32, #tpu.memory_space<hbm>>
      %dma_wait3A_27 = tpu.memref_squeeze %dma_wait3A_26 : memref<1x10000x64xf32, #tpu.memory_space<hbm>> -> memref<10000x64xf32, #tpu.memory_space<hbm>>
      %dma_wait3A_28 = arith.constant 0 : i32
      %dma_wait3A_29 = tpu.memref_slice %dma_wait3A_27[%mul3A_2, %dma_wait3A_28] : memref<10000x64xf32, #tpu.memory_space<hbm>> -> memref<625x64xf32, #tpu.memory_space<hbm>>
      %dma_wait3A_30 = arith.constant 0 : i32
      %dma_wait3A_31 = tpu.memref_slice %arg9[%mul3A_2, %dma_wait3A_30] : memref<10000x64xf32, #tpu.memory_space<vmem_shared>> -> memref<625x64xf32, #tpu.memory_space<vmem_shared>>
      tpu.wait_dma2 semaphore(%run_scoped3A_17 : memref<!tpu.dma_semaphore, #tpu.memory_space<semaphore_mem>>) src(%dma_wait3A_31 : memref<625x64xf32, #tpu.memory_space<vmem_shared>>) dst(%dma_wait3A_29 : memref<625x64xf32, #tpu.memory_space<hbm>>)
      tpu.yield
    }) : () -> ()
    return
  }
}

module attributes {stable_mosaic.version = 14 : i64} {
  func.func @_k1_body(%arg0: i32, %arg1: memref<5000x128xf32, #tpu.memory_space<vmem>>, %arg2: memref<128x64xf32, #tpu.memory_space<vmem>>, %arg3: memref<5000x64xf32, #tpu.memory_space<vmem>>) attributes {dimension_semantics = [#tpu.dimension_semantics<arbitrary>], iteration_bounds = array<i64: 2>, scalar_prefetch = 0 : i64, scratch_operands = 0 : i64, tpu.core_type = #tpu.core_type<tc>, window_params = [{transform_indices = @transform_0, window_bounds = array<i64: 5000, 128>}, {pipeline_mode = #tpu.pipeline_mode<synchronous>, transform_indices = @transform_1, window_bounds = array<i64: 128, 64>}, {transform_indices = @transform_2, window_bounds = array<i64: 5000, 64>}]} {
    %get3A = arith.constant 0 : index
    %get3A_0 = arith.constant 0 : index
    %get3A_1 = vector.load %arg1[%get3A, %get3A_0] : memref<5000x128xf32, #tpu.memory_space<vmem>>, vector<5000x128xf32>
    %get3A_2 = arith.constant 0 : index
    %get3A_3 = arith.constant 0 : index
    %get3A_4 = vector.load %arg2[%get3A_2, %get3A_3] : memref<128x64xf32, #tpu.memory_space<vmem>>, vector<128x64xf32>
    %dot_general3A = arith.constant dense<0.000000e+00> : vector<5000x64xf32>
    %dot_general3A_5 = tpu.matmul %get3A_1, %get3A_4, %dot_general3A {dimension_numbers = #tpu.dot_dimension_numbers<[1], [0], [0], [1], [0, 0, 1, 1], [], []>, transpose_lhs_hint = false} : vector<5000x128xf32>, vector<128x64xf32>, vector<5000x64xf32> -> vector<5000x64xf32>
    %swap3A = arith.constant 0 : index
    %swap3A_6 = arith.constant 0 : index
    %swap3A_7 = vector.load %arg3[%swap3A, %swap3A_6] : memref<5000x64xf32, #tpu.memory_space<vmem>>, vector<5000x64xf32>
    tpu.vector_store %arg3[%swap3A, %swap3A_6], %dot_general3A_5 {strides = array<i32>} : memref<5000x64xf32, #tpu.memory_space<vmem>>, vector<5000x64xf32>,
    return
  }
  func.func @transform_0(%arg0: i32) -> (i32, i32) {
    %c0_i32 = arith.constant 0 : i32
    %c0_i32_0 = arith.constant 0 : i32
    return %arg0, %c0_i32 : i32, i32
  }
  func.func @transform_1(%arg0: i32) -> (i32, i32) {
    %c0_i32 = arith.constant 0 : i32
    %c0_i32_0 = arith.constant 0 : i32
    %c0_i32_1 = arith.constant 0 : i32
    return %c0_i32, %c0_i32_0 : i32, i32
  }
  func.func @transform_2(%arg0: i32) -> (i32, i32) {
    %c0_i32 = arith.constant 0 : i32
    %c0_i32_0 = arith.constant 0 : i32
    return %arg0, %c0_i32 : i32, i32
  }
}

module attributes {stable_mosaic.version = 14 : i64} {
  func.func @_k23_body(%arg0: i32, %arg1: i32, %arg2: memref<1000x128xf32, #tpu.memory_space<vmem>>, %arg3: memref<1000x128xf32, #tpu.memory_space<vmem>>, %arg4: memref<1000x128xf32, #tpu.memory_space<vmem>>, %arg5: memref<1000x2xi32, #tpu.memory_space<vmem>>, %arg6: memref<128x128xf32, #tpu.memory_space<vmem>>, %arg7: memref<1x128xf32, #tpu.memory_space<vmem>>, %arg8: memref<1x128xf32, #tpu.memory_space<vmem>>, %arg9: memref<128x128xf32, #tpu.memory_space<vmem>>, %arg10: memref<1x128xf32, #tpu.memory_space<vmem>>, %arg11: memref<128x128xf32, #tpu.memory_space<vmem>>, %arg12: memref<1x128xf32, #tpu.memory_space<vmem>>, %arg13: memref<128x128xf32, #tpu.memory_space<vmem>>, %arg14: memref<1x128xf32, #tpu.memory_space<vmem>>, %arg15: memref<128x128xf32, #tpu.memory_space<vmem>>, %arg16: memref<1x128xf32, #tpu.memory_space<vmem>>, %arg17: memref<64x64xf32, #tpu.memory_space<vmem>>, %arg18: memref<1x64xf32, #tpu.memory_space<vmem>>, %arg19: memref<64x64xf32, #tpu.memory_space<vmem>>, %arg20: memref<1x64xf32, #tpu.memory_space<vmem>>, %arg21: memref<64x64xf32, #tpu.memory_space<vmem>>, %arg22: memref<1x64xf32, #tpu.memory_space<vmem>>, %arg23: memref<64x64xf32, #tpu.memory_space<vmem>>, %arg24: memref<1x64xf32, #tpu.memory_space<vmem>>, %arg25: memref<1x1xf32, #tpu.memory_space<smem>>, %arg26: memref<5000x128xf32, #tpu.memory_space<vmem>>, %arg27: memref<128x64xf32, #tpu.memory_space<vmem>>, %arg28: memref<128x64xf32, #tpu.memory_space<vmem>>) attributes {dimension_semantics = [#tpu.dimension_semantics<arbitrary>, #tpu.dimension_semantics<arbitrary>], iteration_bounds = array<i64: 2, 5>, scalar_prefetch = 0 : i64, scratch_operands = 3 : i64, tpu.core_type = #tpu.core_type<tc>, window_params = [{transform_indices = @transform_0, window_bounds = array<i64: 1000, 128>}, {transform_indices = @transform_1, window_bounds = array<i64: 1000, 128>}, {transform_indices = @transform_2, window_bounds = array<i64: 1000, 128>}, {transform_indices = @transform_3, window_bounds = array<i64: 1000, 2>}, {pipeline_mode = #tpu.pipeline_mode<synchronous>, transform_indices = @transform_4, window_bounds = array<i64: 128, 128>}, {pipeline_mode = #tpu.pipeline_mode<synchronous>, transform_indices = @transform_5, window_bounds = array<i64: 1, 128>}, {pipeline_mode = #tpu.pipeline_mode<synchronous>, transform_indices = @transform_6, window_bounds = array<i64: 1, 128>}, {pipeline_mode = #tpu.pipeline_mode<synchronous>, transform_indices = @transform_7, window_bounds = array<i64: 128, 128>}, {pipeline_mode = #tpu.pipeline_mode<synchronous>, transform_indices = @transform_8, window_bounds = array<i64: 1, 128>}, {pipeline_mode = #tpu.pipeline_mode<synchronous>, transform_indices = @transform_9, window_bounds = array<i64: 128, 128>}, {pipeline_mode = #tpu.pipeline_mode<synchronous>, transform_indices = @transform_10, window_bounds = array<i64: 1, 128>}, {pipeline_mode = #tpu.pipeline_mode<synchronous>, transform_indices = @transform_11, window_bounds = array<i64: 128, 128>}, {pipeline_mode = #tpu.pipeline_mode<synchronous>, transform_indices = @transform_12, window_bounds = array<i64: 1, 128>}, {pipeline_mode = #tpu.pipeline_mode<synchronous>, transform_indices = @transform_13, window_bounds = array<i64: 128, 128>}, {pipeline_mode = #tpu.pipeline_mode<synchronous>, transform_indices = @transform_14, window_bounds = array<i64: 1, 128>}, {pipeline_mode = #tpu.pipeline_mode<synchronous>, transform_indices = @transform_15, window_bounds = array<i64: 64, 64>}, {pipeline_mode = #tpu.pipeline_mode<synchronous>, transform_indices = @transform_16, window_bounds = array<i64: 1, 64>}, {pipeline_mode = #tpu.pipeline_mode<synchronous>, transform_indices = @transform_17, window_bounds = array<i64: 64, 64>}, {pipeline_mode = #tpu.pipeline_mode<synchronous>, transform_indices = @transform_18, window_bounds = array<i64: 1, 64>}, {pipeline_mode = #tpu.pipeline_mode<synchronous>, transform_indices = @transform_19, window_bounds = array<i64: 64, 64>}, {pipeline_mode = #tpu.pipeline_mode<synchronous>, transform_indices = @transform_20, window_bounds = array<i64: 1, 64>}, {pipeline_mode = #tpu.pipeline_mode<synchronous>, transform_indices = @transform_21, window_bounds = array<i64: 64, 64>}, {pipeline_mode = #tpu.pipeline_mode<synchronous>, transform_indices = @transform_22, window_bounds = array<i64: 1, 64>}, {transform_indices = @transform_23, window_bounds = array<i64: 1, 1>}]} {
    %eq3A = arith.constant 0 : i32
    %eq3A_0 = arith.cmpi eq, %arg0, %eq3A : i32
    %convert_element_type3A = arith.extui %eq3A_0 : i1 to i32
    %cond3A = arith.constant 0 : i32
    %cond3A_1 = arith.cmpi ne, %convert_element_type3A, %cond3A : i32
    scf.if %cond3A_1 {
      %get3A = arith.constant 0 : index
      %get3A_7 = arith.constant 0 : index
      %get3A_8 = vector.load %arg2[%get3A, %get3A_7] : memref<1000x128xf32, #tpu.memory_space<vmem>>, vector<1000x128xf32>
      %get3A_9 = arith.constant 0 : index
      %get3A_10 = arith.constant 0 : index
      %get3A_11 = vector.load %arg3[%get3A_9, %get3A_10] : memref<1000x128xf32, #tpu.memory_space<vmem>>, vector<1000x128xf32>
      %add3A = arith.addf %get3A_8, %get3A_11 : vector<1000x128xf32>
      %get3A_12 = arith.constant 0 : index
      %get3A_13 = arith.constant 0 : index
      %get3A_14 = vector.load %arg4[%get3A_12, %get3A_13] : memref<1000x128xf32, #tpu.memory_space<vmem>>, vector<1000x128xf32>
      %add3A_15 = arith.addf %add3A, %get3A_14 : vector<1000x128xf32>
      %get3A_16 = arith.constant 0 : index
      %get3A_17 = arith.constant 0 : index
      %get3A_18 = vector.load %arg8[%get3A_16, %get3A_17] : memref<1x128xf32, #tpu.memory_space<vmem>>, vector<1x128xf32>
      %add3A_19 = vector.broadcast %get3A_18 : vector<1x128xf32> to vector<1000x128xf32>
      %add3A_20 = arith.addf %add3A_15, %add3A_19 : vector<1000x128xf32>
      %max3A = arith.constant 0.000000e+00 : f32
      %max3A_21 = vector.broadcast %max3A : f32 to vector<1000x128xf32>
      %max3A_22 = arith.maximumf %add3A_20, %max3A_21 : vector<1000x128xf32>
      %get3A_23 = arith.constant 0 : index
      %get3A_24 = arith.constant 0 : index
      %get3A_25 = vector.load %arg6[%get3A_23, %get3A_24] : memref<128x128xf32, #tpu.memory_space<vmem>>, vector<128x128xf32>
      %dot_general3A = arith.constant dense<0.000000e+00> : vector<1000x128xf32>
      %dot_general3A_26 = tpu.matmul %max3A_22, %get3A_25, %dot_general3A {dimension_numbers = #tpu.dot_dimension_numbers<[1], [0], [0], [1], [0, 0, 1, 1], [], []>, transpose_lhs_hint = false} : vector<1000x128xf32>, vector<128x128xf32>, vector<1000x128xf32> -> vector<1000x128xf32>
      %get3A_27 = arith.constant 0 : index
      %get3A_28 = arith.constant 0 : index
      %get3A_29 = vector.load %arg7[%get3A_27, %get3A_28] : memref<1x128xf32, #tpu.memory_space<vmem>>, vector<1x128xf32>
      %add3A_30 = vector.broadcast %get3A_29 : vector<1x128xf32> to vector<1000x128xf32>
      %add3A_31 = arith.addf %dot_general3A_26, %add3A_30 : vector<1000x128xf32>
      %max3A_32 = arith.constant 0.000000e+00 : f32
      %max3A_33 = vector.broadcast %max3A_32 : f32 to vector<1000x128xf32>
      %max3A_34 = arith.maximumf %add3A_31, %max3A_33 : vector<1000x128xf32>
      %get3A_35 = arith.constant 0 : index
      %get3A_36 = arith.constant 0 : index
      %get3A_37 = vector.load %arg9[%get3A_35, %get3A_36] : memref<128x128xf32, #tpu.memory_space<vmem>>, vector<128x128xf32>
      %get3A_38 = arith.constant 0 : index
      %get3A_39 = arith.constant 0 : index
      %get3A_40 = vector.load %arg10[%get3A_38, %get3A_39] : memref<1x128xf32, #tpu.memory_space<vmem>>, vector<1x128xf32>
      %get3A_41 = arith.constant 0 : index
      %get3A_42 = arith.constant 0 : index
      %get3A_43 = vector.load %arg11[%get3A_41, %get3A_42] : memref<128x128xf32, #tpu.memory_space<vmem>>, vector<128x128xf32>
      %get3A_44 = arith.constant 0 : index
      %get3A_45 = arith.constant 0 : index
      %get3A_46 = vector.load %arg12[%get3A_44, %get3A_45] : memref<1x128xf32, #tpu.memory_space<vmem>>, vector<1x128xf32>
      %get3A_47 = arith.constant 0 : index
      %get3A_48 = arith.constant 0 : index
      %get3A_49 = vector.load %arg13[%get3A_47, %get3A_48] : memref<128x128xf32, #tpu.memory_space<vmem>>, vector<128x128xf32>
      %get3A_50 = arith.constant 0 : index
      %get3A_51 = arith.constant 0 : index
      %get3A_52 = vector.load %arg14[%get3A_50, %get3A_51] : memref<1x128xf32, #tpu.memory_space<vmem>>, vector<1x128xf32>
      %get3A_53 = arith.constant 0 : index
      %get3A_54 = arith.constant 0 : index
      %get3A_55 = vector.load %arg15[%get3A_53, %get3A_54] : memref<128x128xf32, #tpu.memory_space<vmem>>, vector<128x128xf32>
      %get3A_56 = arith.constant 0 : index
      %get3A_57 = arith.constant 0 : index
      %get3A_58 = vector.load %arg16[%get3A_56, %get3A_57] : memref<1x128xf32, #tpu.memory_space<vmem>>, vector<1x128xf32>
      %dot_general3A_59 = arith.constant dense<0.000000e+00> : vector<1000x128xf32>
      %dot_general3A_60 = tpu.matmul %max3A_34, %get3A_37, %dot_general3A_59 {dimension_numbers = #tpu.dot_dimension_numbers<[1], [0], [0], [1], [0, 0, 1, 1], [], []>, transpose_lhs_hint = false} : vector<1000x128xf32>, vector<128x128xf32>, vector<1000x128xf32> -> vector<1000x128xf32>
      %add3A_61 = vector.broadcast %get3A_40 : vector<1x128xf32> to vector<1000x128xf32>
      %add3A_62 = arith.addf %dot_general3A_60, %add3A_61 : vector<1000x128xf32>
      %max3A_63 = arith.constant 0.000000e+00 : f32
      %max3A_64 = vector.broadcast %max3A_63 : f32 to vector<1000x128xf32>
      %max3A_65 = arith.maximumf %add3A_62, %max3A_64 : vector<1000x128xf32>
      %dot_general3A_66 = arith.constant dense<0.000000e+00> : vector<1000x128xf32>
      %dot_general3A_67 = tpu.matmul %max3A_65, %get3A_43, %dot_general3A_66 {dimension_numbers = #tpu.dot_dimension_numbers<[1], [0], [0], [1], [0, 0, 1, 1], [], []>, transpose_lhs_hint = false} : vector<1000x128xf32>, vector<128x128xf32>, vector<1000x128xf32> -> vector<1000x128xf32>
      %add3A_68 = vector.broadcast %get3A_46 : vector<1x128xf32> to vector<1000x128xf32>
      %add3A_69 = arith.addf %dot_general3A_67, %add3A_68 : vector<1000x128xf32>
      %max3A_70 = arith.constant 0.000000e+00 : f32
      %max3A_71 = vector.broadcast %max3A_70 : f32 to vector<1000x128xf32>
      %max3A_72 = arith.maximumf %add3A_69, %max3A_71 : vector<1000x128xf32>
      %dot_general3A_73 = arith.constant dense<0.000000e+00> : vector<1000x128xf32>
      %dot_general3A_74 = tpu.matmul %max3A_72, %get3A_49, %dot_general3A_73 {dimension_numbers = #tpu.dot_dimension_numbers<[1], [0], [0], [1], [0, 0, 1, 1], [], []>, transpose_lhs_hint = false} : vector<1000x128xf32>, vector<128x128xf32>, vector<1000x128xf32> -> vector<1000x128xf32>
      %add3A_75 = vector.broadcast %get3A_52 : vector<1x128xf32> to vector<1000x128xf32>
      %add3A_76 = arith.addf %dot_general3A_74, %add3A_75 : vector<1000x128xf32>
      %max3A_77 = arith.constant 0.000000e+00 : f32
      %max3A_78 = vector.broadcast %max3A_77 : f32 to vector<1000x128xf32>
      %max3A_79 = arith.maximumf %add3A_76, %max3A_78 : vector<1000x128xf32>
      %dot_general3A_80 = arith.constant dense<0.000000e+00> : vector<1000x128xf32>
      %dot_general3A_81 = tpu.matmul %max3A_34, %get3A_55, %dot_general3A_80 {dimension_numbers = #tpu.dot_dimension_numbers<[1], [0], [0], [1], [0, 0, 1, 1], [], []>, transpose_lhs_hint = false} : vector<1000x128xf32>, vector<128x128xf32>, vector<1000x128xf32> -> vector<1000x128xf32>
      %add3A_82 = arith.addf %max3A_79, %dot_general3A_81 : vector<1000x128xf32>
      %add3A_83 = vector.broadcast %get3A_58 : vector<1x128xf32> to vector<1000x128xf32>
      %add3A_84 = arith.addf %add3A_82, %add3A_83 : vector<1000x128xf32>
      %mul3A = arith.constant 1000 : i32
      %mul3A_85 = arith.muli %arg1, %mul3A : i32
      %swap3A = arith.index_cast %mul3A_85 : i32 to index
      %swap3A_86 = arith.constant 0 : index
      %swap3A_87 = vector.load %arg26[%swap3A, %swap3A_86] : memref<5000x128xf32, #tpu.memory_space<vmem>>, vector<1000x128xf32>
      tpu.vector_store %arg26[%swap3A, %swap3A_86], %add3A_84 {strides = array<i32>} : memref<5000x128xf32, #tpu.memory_space<vmem>>, vector<1000x128xf32>,
      %get3A_88 = arith.constant 0 : index
      %get3A_89 = arith.constant 0 : index
      %get3A_90 = vector.load %arg5[%get3A_88, %get3A_89] : memref<1000x2xi32, #tpu.memory_space<vmem>>, vector<1000x2xi32>
      %iota3A = tpu.iota {dimensions = array<i32: 1>} : vector<1000x128xi32>
      %slice3A = vector.extract_strided_slice %get3A_90 {offsets = [0, 0], sizes = [1000, 1], strides = [1, 1]} : vector<1000x2xi32> to vector<1000x1xi32>
      %eq3A_91 = vector.broadcast %slice3A : vector<1000x1xi32> to vector<1000x128xi32>
      %eq3A_92 = arith.cmpi eq, %eq3A_91, %iota3A : vector<1000x128xi32>
      %convert_element_type3A_93 = arith.extui %eq3A_92 : vector<1000x128xi1> to vector<1000x128xi32>
      %convert_element_type3A_94 = arith.sitofp %convert_element_type3A_93 : vector<1000x128xi32> to vector<1000x128xf32>
      %slice3A_95 = vector.extract_strided_slice %get3A_90 {offsets = [0, 1], sizes = [1000, 1], strides = [1, 1]} : vector<1000x2xi32> to vector<1000x1xi32>
      %eq3A_96 = vector.broadcast %slice3A_95 : vector<1000x1xi32> to vector<1000x128xi32>
      %eq3A_97 = arith.cmpi eq, %eq3A_96, %iota3A : vector<1000x128xi32>
      %convert_element_type3A_98 = arith.extui %eq3A_97 : vector<1000x128xi1> to vector<1000x128xi32>
      %convert_element_type3A_99 = arith.sitofp %convert_element_type3A_98 : vector<1000x128xi32> to vector<1000x128xf32>
      %slice3A_100 = vector.extract_strided_slice %max3A_34 {offsets = [0, 0], sizes = [1000, 64], strides = [1, 1]} : vector<1000x128xf32> to vector<1000x64xf32>
      %dot_general3A_101 = arith.constant dense<0.000000e+00> : vector<128x64xf32>
      %dot_general3A_102 = tpu.matmul %convert_element_type3A_94, %slice3A_100, %dot_general3A_101 {dimension_numbers = #tpu.dot_dimension_numbers<[0], [0], [1], [1], [0, 1, 1, 1], [], []>, transpose_lhs_hint = false} : vector<1000x128xf32>, vector<1000x64xf32>, vector<128x64xf32> -> vector<128x64xf32>
      %slice3A_103 = vector.extract_strided_slice %max3A_34 {offsets = [0, 64], sizes = [1000, 64], strides = [1, 1]} : vector<1000x128xf32> to vector<1000x64xf32>
      %dot_general3A_104 = arith.constant dense<0.000000e+00> : vector<128x64xf32>
      %dot_general3A_105 = tpu.matmul %convert_element_type3A_99, %slice3A_103, %dot_general3A_104 {dimension_numbers = #tpu.dot_dimension_numbers<[0], [0], [1], [1], [0, 1, 1, 1], [], []>, transpose_lhs_hint = false} : vector<1000x128xf32>, vector<1000x64xf32>, vector<128x64xf32> -> vector<128x64xf32>
      %add3A_106 = arith.addf %dot_general3A_102, %dot_general3A_105 : vector<128x64xf32>
      %eq3A_107 = arith.constant 0 : i32
      %eq3A_108 = arith.cmpi eq, %arg1, %eq3A_107 : i32
      %convert_element_type3A_109 = arith.extui %eq3A_108 : i1 to i32
      %cond3A_110 = arith.constant 0 : i32
      %cond3A_111 = arith.cmpi ne, %convert_element_type3A_109, %cond3A_110 : i32
      scf.if %cond3A_111 {
        %swap3A_116 = arith.constant 0 : index
        %swap3A_117 = arith.constant 0 : index
        %swap3A_118 = vector.load %arg27[%swap3A_116, %swap3A_117] : memref<128x64xf32, #tpu.memory_space<vmem>>, vector<128x64xf32>
        tpu.vector_store %arg27[%swap3A_116, %swap3A_117], %add3A_106 {strides = array<i32>} : memref<128x64xf32, #tpu.memory_space<vmem>>, vector<128x64xf32>,
      } else {
      }
      %ne3A = arith.constant 0 : i32
      %ne3A_112 = arith.cmpi ne, %arg1, %ne3A : i32
      %convert_element_type3A_113 = arith.extui %ne3A_112 : i1 to i32
      %cond3A_114 = arith.constant 0 : i32
      %cond3A_115 = arith.cmpi ne, %convert_element_type3A_113, %cond3A_114 : i32
      scf.if %cond3A_115 {
        %get3A_116 = arith.constant 0 : index
        %get3A_117 = arith.constant 0 : index
        %get3A_118 = vector.load %arg27[%get3A_116, %get3A_117] : memref<128x64xf32, #tpu.memory_space<vmem>>, vector<128x64xf32>
        %add3A_119 = arith.addf %get3A_118, %add3A_106 : vector<128x64xf32>
        %swap3A_120 = arith.constant 0 : index
        %swap3A_121 = arith.constant 0 : index
        %swap3A_122 = vector.load %arg27[%swap3A_120, %swap3A_121] : memref<128x64xf32, #tpu.memory_space<vmem>>, vector<128x64xf32>
        tpu.vector_store %arg27[%swap3A_120, %swap3A_121], %add3A_119 {strides = array<i32>} : memref<128x64xf32, #tpu.memory_space<vmem>>, vector<128x64xf32>,
      } else {
      }
    } else {
    }
    %eq3A_2 = arith.constant 1 : i32
    %eq3A_3 = arith.cmpi eq, %arg0, %eq3A_2 : i32
    %convert_element_type3A_4 = arith.extui %eq3A_3 : i1 to i32
    %cond3A_5 = arith.constant 0 : i32
    %cond3A_6 = arith.cmpi ne, %convert_element_type3A_4, %cond3A_5 : i32
    scf.if %cond3A_6 {
      %eq3A_7 = arith.constant 0 : i32
      %eq3A_8 = arith.cmpi eq, %arg1, %eq3A_7 : i32
      %convert_element_type3A_9 = arith.extui %eq3A_8 : i1 to i32
      %cond3A_10 = arith.constant 0 : i32
      %cond3A_11 = arith.cmpi ne, %convert_element_type3A_9, %cond3A_10 : i32
      scf.if %cond3A_11 {
        %get3A_116 = arith.constant 0 : index
        %get3A_117 = arith.constant 0 : index
        %get3A_118 = vector.load %arg27[%get3A_116, %get3A_117] : memref<128x64xf32, #tpu.memory_space<vmem>>, vector<128x64xf32>
        %get3A_119 = arith.constant 0 : index
        %get3A_120 = arith.constant 0 : index
        %get3A_121 = vector.load %arg17[%get3A_119, %get3A_120] : memref<64x64xf32, #tpu.memory_space<vmem>>, vector<64x64xf32>
        %get3A_122 = arith.constant 0 : index
        %get3A_123 = arith.constant 0 : index
        %get3A_124 = vector.load %arg18[%get3A_122, %get3A_123] : memref<1x64xf32, #tpu.memory_space<vmem>>, vector<1x64xf32>
        %get3A_125 = arith.constant 0 : index
        %get3A_126 = arith.constant 0 : index
        %get3A_127 = vector.load %arg19[%get3A_125, %get3A_126] : memref<64x64xf32, #tpu.memory_space<vmem>>, vector<64x64xf32>
        %get3A_128 = arith.constant 0 : index
        %get3A_129 = arith.constant 0 : index
        %get3A_130 = vector.load %arg20[%get3A_128, %get3A_129] : memref<1x64xf32, #tpu.memory_space<vmem>>, vector<1x64xf32>
        %get3A_131 = arith.constant 0 : index
        %get3A_132 = arith.constant 0 : index
        %get3A_133 = vector.load %arg21[%get3A_131, %get3A_132] : memref<64x64xf32, #tpu.memory_space<vmem>>, vector<64x64xf32>
        %get3A_134 = arith.constant 0 : index
        %get3A_135 = arith.constant 0 : index
        %get3A_136 = vector.load %arg22[%get3A_134, %get3A_135] : memref<1x64xf32, #tpu.memory_space<vmem>>, vector<1x64xf32>
        %get3A_137 = arith.constant 0 : index
        %get3A_138 = arith.constant 0 : index
        %get3A_139 = vector.load %arg23[%get3A_137, %get3A_138] : memref<64x64xf32, #tpu.memory_space<vmem>>, vector<64x64xf32>
        %get3A_140 = arith.constant 0 : index
        %get3A_141 = arith.constant 0 : index
        %get3A_142 = vector.load %arg24[%get3A_140, %get3A_141] : memref<1x64xf32, #tpu.memory_space<vmem>>, vector<1x64xf32>
        %dot_general3A_143 = arith.constant dense<0.000000e+00> : vector<128x64xf32>
        %dot_general3A_144 = tpu.matmul %get3A_118, %get3A_121, %dot_general3A_143 {dimension_numbers = #tpu.dot_dimension_numbers<[1], [0], [0], [1], [0, 0, 1, 1], [], []>, transpose_lhs_hint = false} : vector<128x64xf32>, vector<64x64xf32>, vector<128x64xf32> -> vector<128x64xf32>
        %add3A_145 = vector.broadcast %get3A_124 : vector<1x64xf32> to vector<128x64xf32>
        %add3A_146 = arith.addf %dot_general3A_144, %add3A_145 : vector<128x64xf32>
        %max3A_147 = arith.constant 0.000000e+00 : f32
        %max3A_148 = vector.broadcast %max3A_147 : f32 to vector<128x64xf32>
        %max3A_149 = arith.maximumf %add3A_146, %max3A_148 : vector<128x64xf32>
        %dot_general3A_150 = arith.constant dense<0.000000e+00> : vector<128x64xf32>
        %dot_general3A_151 = tpu.matmul %max3A_149, %get3A_127, %dot_general3A_150 {dimension_numbers = #tpu.dot_dimension_numbers<[1], [0], [0], [1], [0, 0, 1, 1], [], []>, transpose_lhs_hint = false} : vector<128x64xf32>, vector<64x64xf32>, vector<128x64xf32> -> vector<128x64xf32>
        %add3A_152 = vector.broadcast %get3A_130 : vector<1x64xf32> to vector<128x64xf32>
        %add3A_153 = arith.addf %dot_general3A_151, %add3A_152 : vector<128x64xf32>
        %max3A_154 = arith.constant 0.000000e+00 : f32
        %max3A_155 = vector.broadcast %max3A_154 : f32 to vector<128x64xf32>
        %max3A_156 = arith.maximumf %add3A_153, %max3A_155 : vector<128x64xf32>
        %dot_general3A_157 = arith.constant dense<0.000000e+00> : vector<128x64xf32>
        %dot_general3A_158 = tpu.matmul %max3A_156, %get3A_133, %dot_general3A_157 {dimension_numbers = #tpu.dot_dimension_numbers<[1], [0], [0], [1], [0, 0, 1, 1], [], []>, transpose_lhs_hint = false} : vector<128x64xf32>, vector<64x64xf32>, vector<128x64xf32> -> vector<128x64xf32>
        %add3A_159 = vector.broadcast %get3A_136 : vector<1x64xf32> to vector<128x64xf32>
        %add3A_160 = arith.addf %dot_general3A_158, %add3A_159 : vector<128x64xf32>
        %max3A_161 = arith.constant 0.000000e+00 : f32
        %max3A_162 = vector.broadcast %max3A_161 : f32 to vector<128x64xf32>
        %max3A_163 = arith.maximumf %add3A_160, %max3A_162 : vector<128x64xf32>
        %dot_general3A_164 = arith.constant dense<0.000000e+00> : vector<128x64xf32>
        %dot_general3A_165 = tpu.matmul %get3A_118, %get3A_139, %dot_general3A_164 {dimension_numbers = #tpu.dot_dimension_numbers<[1], [0], [0], [1], [0, 0, 1, 1], [], []>, transpose_lhs_hint = false} : vector<128x64xf32>, vector<64x64xf32>, vector<128x64xf32> -> vector<128x64xf32>
        %add3A_166 = arith.addf %max3A_163, %dot_general3A_165 : vector<128x64xf32>
        %add3A_167 = vector.broadcast %get3A_142 : vector<1x64xf32> to vector<128x64xf32>
        %add3A_168 = arith.addf %add3A_166, %add3A_167 : vector<128x64xf32>
        %swap3A_169 = arith.constant 0 : index
        %swap3A_170 = arith.constant 0 : index
        %swap3A_171 = vector.load %arg28[%swap3A_169, %swap3A_170] : memref<128x64xf32, #tpu.memory_space<vmem>>, vector<128x64xf32>
        tpu.vector_store %arg28[%swap3A_169, %swap3A_170], %add3A_168 {strides = array<i32>} : memref<128x64xf32, #tpu.memory_space<vmem>>, vector<128x64xf32>,
        %swap3A_172 = arith.constant 0.000000e+00 : f32
        %swap3A_173 = arith.constant 0 : index
        %swap3A_174 = arith.constant 0 : index
        %swap3A_175 = memref.load %arg25[%swap3A_173, %swap3A_174] : memref<1x1xf32, #tpu.memory_space<smem>>
        memref.store %swap3A_172, %arg25[%swap3A_173, %swap3A_174] : memref<1x1xf32, #tpu.memory_space<smem>>
      } else {
      }
      %mul3A = arith.constant 1000 : i32
      %mul3A_12 = arith.muli %arg1, %mul3A : i32
      %get3A = arith.index_cast %mul3A_12 : i32 to index
      %get3A_13 = arith.constant 0 : index
      %get3A_14 = vector.load %arg26[%get3A, %get3A_13] : memref<5000x128xf32, #tpu.memory_space<vmem>>, vector<1000x128xf32>
      %get3A_15 = arith.constant 0 : index
      %get3A_16 = arith.constant 0 : index
      %get3A_17 = vector.load %arg5[%get3A_15, %get3A_16] : memref<1000x2xi32, #tpu.memory_space<vmem>>, vector<1000x2xi32>
      %get3A_18 = arith.constant 0 : index
      %get3A_19 = arith.constant 0 : index
      %get3A_20 = vector.load %arg28[%get3A_18, %get3A_19] : memref<128x64xf32, #tpu.memory_space<vmem>>, vector<128x64xf32>
      %iota3A = tpu.iota {dimensions = array<i32: 1>} : vector<1000x128xi32>
      %slice3A = vector.extract_strided_slice %get3A_14 {offsets = [0, 0], sizes = [1000, 64], strides = [1, 1]} : vector<1000x128xf32> to vector<1000x64xf32>
      %dot_general3A = arith.constant dense<0.000000e+00> : vector<1000x128xf32>
      %dot_general3A_21 = tpu.matmul %slice3A, %get3A_20, %dot_general3A {dimension_numbers = #tpu.dot_dimension_numbers<[1], [1], [0], [0], [0, 0, 1, 0], [], []>, transpose_lhs_hint = false} : vector<1000x64xf32>, vector<128x64xf32>, vector<1000x128xf32> -> vector<1000x128xf32>
      %slice3A_22 = vector.extract_strided_slice %get3A_17 {offsets = [0, 0], sizes = [1000, 1], strides = [1, 1]} : vector<1000x2xi32> to vector<1000x1xi32>
      %eq3A_23 = vector.broadcast %slice3A_22 : vector<1000x1xi32> to vector<1000x128xi32>
      %eq3A_24 = arith.cmpi eq, %eq3A_23, %iota3A : vector<1000x128xi32>
      %abs3A = math.absf %dot_general3A_21 : vector<1000x128xf32>
      %neg3A = arith.constant 0.000000e+00 : f32
      %neg3A_25 = vector.broadcast %neg3A : f32 to vector<1000x128xf32>
      %neg3A_26 = arith.subf %neg3A_25, %abs3A : vector<1000x128xf32>
      %exp3A = math.exp %neg3A_26 : vector<1000x128xf32>
      %log1p3A = math.log1p %exp3A : vector<1000x128xf32>
      %neg3A_27 = arith.constant 0.000000e+00 : f32
      %neg3A_28 = vector.broadcast %neg3A_27 : f32 to vector<1000x128xf32>
      %neg3A_29 = arith.subf %neg3A_28, %dot_general3A_21 : vector<1000x128xf32>
      %max3A = arith.constant 0.000000e+00 : f32
      %max3A_30 = vector.broadcast %max3A : f32 to vector<1000x128xf32>
      %max3A_31 = arith.maximumf %neg3A_29, %max3A_30 : vector<1000x128xf32>
      %add3A = arith.addf %max3A_31, %log1p3A : vector<1000x128xf32>
      %max3A_32 = arith.constant 0.000000e+00 : f32
      %max3A_33 = vector.broadcast %max3A_32 : f32 to vector<1000x128xf32>
      %max3A_34 = arith.maximumf %dot_general3A_21, %max3A_33 : vector<1000x128xf32>
      %add3A_35 = arith.addf %max3A_34, %log1p3A : vector<1000x128xf32>
      %sub3A = arith.constant 0.693147182 : f32
      %sub3A_36 = vector.broadcast %sub3A : f32 to vector<1000x128xf32>
      %sub3A_37 = arith.subf %add3A_35, %sub3A_36 : vector<1000x128xf32>
      %jit3A = arith.constant 0.000000e+00 : f32
      %broadcast_in_dim3A = vector.broadcast %jit3A : f32 to vector<1000x128xf32>
      %select_n3A = arith.select %eq3A_24, %broadcast_in_dim3A, %sub3A_37 : vector<1000x128xi1>, vector<1000x128xf32>
      %sub3A_38 = arith.constant 0.693147182 : f32
      %sub3A_39 = vector.broadcast %sub3A_38 : f32 to vector<1000x128xf32>
      %sub3A_40 = arith.subf %sub3A_39, %add3A : vector<1000x128xf32>
      %jit3A_41 = arith.constant 0.000000e+00 : f32
      %broadcast_in_dim3A_42 = vector.broadcast %jit3A_41 : f32 to vector<1000x128xf32>
      %select_n3A_43 = arith.select %eq3A_24, %sub3A_40, %broadcast_in_dim3A_42 : vector<1000x128xi1>, vector<1000x128xf32>
      %reduce_sum3A = vector.shape_cast %select_n3A : vector<1000x128xf32> to vector<1x1000x128xf32>
      %reduce_sum3A_44 = arith.constant dense<0.000000e+00> : vector<1xf32>
      %reduce_sum3A_45 = vector.multi_reduction <add>, %reduce_sum3A, %reduce_sum3A_44 [1, 2] : vector<1x1000x128xf32> to vector<1xf32>
      %reduce_sum3A_46 = vector.shape_cast %reduce_sum3A_45 : vector<1xf32> to vector<1x1x1xf32>
      %reduce_sum3A_47 = vector.extract %reduce_sum3A_46[0, 0, 0] : f32 from vector<1x1x1xf32>
      %div3A = arith.constant 1.270000e+06 : f32
      %div3A_48 = arith.divf %reduce_sum3A_47, %div3A : f32
      %reduce_sum3A_49 = vector.shape_cast %select_n3A_43 : vector<1000x128xf32> to vector<1x1000x128xf32>
      %reduce_sum3A_50 = arith.constant dense<0.000000e+00> : vector<1xf32>
      %reduce_sum3A_51 = vector.multi_reduction <add>, %reduce_sum3A_49, %reduce_sum3A_50 [1, 2] : vector<1x1000x128xf32> to vector<1xf32>
      %reduce_sum3A_52 = vector.shape_cast %reduce_sum3A_51 : vector<1xf32> to vector<1x1x1xf32>
      %reduce_sum3A_53 = vector.extract %reduce_sum3A_52[0, 0, 0] : f32 from vector<1x1x1xf32>
      %div3A_54 = arith.constant 1.000000e+04 : f32
      %div3A_55 = arith.divf %reduce_sum3A_53, %div3A_54 : f32
      %sub3A_56 = arith.subf %div3A_48, %div3A_55 : f32
      %add3A_57 = arith.constant 0.000000e+00 : f32
      %add3A_58 = arith.addf %add3A_57, %sub3A_56 : f32
      %slice3A_59 = vector.extract_strided_slice %get3A_14 {offsets = [0, 64], sizes = [1000, 64], strides = [1, 1]} : vector<1000x128xf32> to vector<1000x64xf32>
      %dot_general3A_60 = arith.constant dense<0.000000e+00> : vector<1000x128xf32>
      %dot_general3A_61 = tpu.matmul %slice3A_59, %get3A_20, %dot_general3A_60 {dimension_numbers = #tpu.dot_dimension_numbers<[1], [1], [0], [0], [0, 0, 1, 0], [], []>, transpose_lhs_hint = false} : vector<1000x64xf32>, vector<128x64xf32>, vector<1000x128xf32> -> vector<1000x128xf32>
      %slice3A_62 = vector.extract_strided_slice %get3A_17 {offsets = [0, 1], sizes = [1000, 1], strides = [1, 1]} : vector<1000x2xi32> to vector<1000x1xi32>
      %eq3A_63 = vector.broadcast %slice3A_62 : vector<1000x1xi32> to vector<1000x128xi32>
      %eq3A_64 = arith.cmpi eq, %eq3A_63, %iota3A : vector<1000x128xi32>
      %abs3A_65 = math.absf %dot_general3A_61 : vector<1000x128xf32>
      %neg3A_66 = arith.constant 0.000000e+00 : f32
      %neg3A_67 = vector.broadcast %neg3A_66 : f32 to vector<1000x128xf32>
      %neg3A_68 = arith.subf %neg3A_67, %abs3A_65 : vector<1000x128xf32>
      %exp3A_69 = math.exp %neg3A_68 : vector<1000x128xf32>
      %log1p3A_70 = math.log1p %exp3A_69 : vector<1000x128xf32>
      %neg3A_71 = arith.constant 0.000000e+00 : f32
      %neg3A_72 = vector.broadcast %neg3A_71 : f32 to vector<1000x128xf32>
      %neg3A_73 = arith.subf %neg3A_72, %dot_general3A_61 : vector<1000x128xf32>
      %max3A_74 = arith.constant 0.000000e+00 : f32
      %max3A_75 = vector.broadcast %max3A_74 : f32 to vector<1000x128xf32>
      %max3A_76 = arith.maximumf %neg3A_73, %max3A_75 : vector<1000x128xf32>
      %add3A_77 = arith.addf %max3A_76, %log1p3A_70 : vector<1000x128xf32>
      %max3A_78 = arith.constant 0.000000e+00 : f32
      %max3A_79 = vector.broadcast %max3A_78 : f32 to vector<1000x128xf32>
      %max3A_80 = arith.maximumf %dot_general3A_61, %max3A_79 : vector<1000x128xf32>
      %add3A_81 = arith.addf %max3A_80, %log1p3A_70 : vector<1000x128xf32>
      %sub3A_82 = arith.constant 0.693147182 : f32
      %sub3A_83 = vector.broadcast %sub3A_82 : f32 to vector<1000x128xf32>
      %sub3A_84 = arith.subf %add3A_81, %sub3A_83 : vector<1000x128xf32>
      %jit3A_85 = arith.constant 0.000000e+00 : f32
      %broadcast_in_dim3A_86 = vector.broadcast %jit3A_85 : f32 to vector<1000x128xf32>
      %select_n3A_87 = arith.select %eq3A_64, %broadcast_in_dim3A_86, %sub3A_84 : vector<1000x128xi1>, vector<1000x128xf32>
      %sub3A_88 = arith.constant 0.693147182 : f32
      %sub3A_89 = vector.broadcast %sub3A_88 : f32 to vector<1000x128xf32>
      %sub3A_90 = arith.subf %sub3A_89, %add3A_77 : vector<1000x128xf32>
      %jit3A_91 = arith.constant 0.000000e+00 : f32
      %broadcast_in_dim3A_92 = vector.broadcast %jit3A_91 : f32 to vector<1000x128xf32>
      %select_n3A_93 = arith.select %eq3A_64, %sub3A_90, %broadcast_in_dim3A_92 : vector<1000x128xi1>, vector<1000x128xf32>
      %reduce_sum3A_94 = vector.shape_cast %select_n3A_87 : vector<1000x128xf32> to vector<1x1000x128xf32>
      %reduce_sum3A_95 = arith.constant dense<0.000000e+00> : vector<1xf32>
      %reduce_sum3A_96 = vector.multi_reduction <add>, %reduce_sum3A_94, %reduce_sum3A_95 [1, 2] : vector<1x1000x128xf32> to vector<1xf32>
      %reduce_sum3A_97 = vector.shape_cast %reduce_sum3A_96 : vector<1xf32> to vector<1x1x1xf32>
      %reduce_sum3A_98 = vector.extract %reduce_sum3A_97[0, 0, 0] : f32 from vector<1x1x1xf32>
      %div3A_99 = arith.constant 1.270000e+06 : f32
      %div3A_100 = arith.divf %reduce_sum3A_98, %div3A_99 : f32
      %reduce_sum3A_101 = vector.shape_cast %select_n3A_93 : vector<1000x128xf32> to vector<1x1000x128xf32>
      %reduce_sum3A_102 = arith.constant dense<0.000000e+00> : vector<1xf32>
      %reduce_sum3A_103 = vector.multi_reduction <add>, %reduce_sum3A_101, %reduce_sum3A_102 [1, 2] : vector<1x1000x128xf32> to vector<1xf32>
      %reduce_sum3A_104 = vector.shape_cast %reduce_sum3A_103 : vector<1xf32> to vector<1x1x1xf32>
      %reduce_sum3A_105 = vector.extract %reduce_sum3A_104[0, 0, 0] : f32 from vector<1x1x1xf32>
      %div3A_106 = arith.constant 1.000000e+04 : f32
      %div3A_107 = arith.divf %reduce_sum3A_105, %div3A_106 : f32
      %sub3A_108 = arith.subf %div3A_100, %div3A_107 : f32
      %add3A_109 = arith.addf %add3A_58, %sub3A_108 : f32
      %get3A_110 = arith.constant 0 : index
      %get3A_111 = arith.constant 0 : index
      %get3A_112 = memref.load %arg25[%get3A_110, %get3A_111] : memref<1x1xf32, #tpu.memory_space<smem>>
      %add3A_113 = arith.addf %get3A_112, %add3A_109 : f32
      %swap3A = arith.constant 0 : index
      %swap3A_114 = arith.constant 0 : index
      %swap3A_115 = memref.load %arg25[%swap3A, %swap3A_114] : memref<1x1xf32, #tpu.memory_space<smem>>
      memref.store %add3A_113, %arg25[%swap3A, %swap3A_114] : memref<1x1xf32, #tpu.memory_space<smem>>
    } else {
    }
    return
  }
  func.func @transform_0(%arg0: i32, %arg1: i32) -> (i32, i32) {
    %sub3A = arith.constant 1 : i32
    %sub3A_0 = arith.subi %sub3A, %arg0 : i32
    %mul3A = arith.muli %arg1, %sub3A_0 : i32
    %c0_i32 = arith.constant 0 : i32
    %c0_i32_1 = arith.constant 0 : i32
    return %mul3A, %c0_i32 : i32, i32
  }
  func.func @transform_1(%arg0: i32, %arg1: i32) -> (i32, i32) {
    %sub3A = arith.constant 1 : i32
    %sub3A_0 = arith.subi %sub3A, %arg0 : i32
    %mul3A = arith.muli %arg1, %sub3A_0 : i32
    %c0_i32 = arith.constant 0 : i32
    %c0_i32_1 = arith.constant 0 : i32
    return %mul3A, %c0_i32 : i32, i32
  }
  func.func @transform_2(%arg0: i32, %arg1: i32) -> (i32, i32) {
    %sub3A = arith.constant 1 : i32
    %sub3A_0 = arith.subi %sub3A, %arg0 : i32
    %mul3A = arith.muli %arg1, %sub3A_0 : i32
    %c0_i32 = arith.constant 0 : i32
    %c0_i32_1 = arith.constant 0 : i32
    return %mul3A, %c0_i32 : i32, i32
  }
  func.func @transform_3(%arg0: i32, %arg1: i32) -> (i32, i32) {
    %c0_i32 = arith.constant 0 : i32
    %c0_i32_0 = arith.constant 0 : i32
    return %arg1, %c0_i32 : i32, i32
  }
  func.func @transform_4(%arg0: i32, %arg1: i32) -> (i32, i32) {
    %c0_i32 = arith.constant 0 : i32
    %c0_i32_0 = arith.constant 0 : i32
    %c0_i32_1 = arith.constant 0 : i32
    return %c0_i32, %c0_i32_0 : i32, i32
  }
  func.func @transform_5(%arg0: i32, %arg1: i32) -> (i32, i32) {
    %c0_i32 = arith.constant 0 : i32
    %c0_i32_0 = arith.constant 0 : i32
    %c0_i32_1 = arith.constant 0 : i32
    return %c0_i32, %c0_i32_0 : i32, i32
  }
  func.func @transform_6(%arg0: i32, %arg1: i32) -> (i32, i32) {
    %c0_i32 = arith.constant 0 : i32
    %c0_i32_0 = arith.constant 0 : i32
    %c0_i32_1 = arith.constant 0 : i32
    return %c0_i32, %c0_i32_0 : i32, i32
  }
  func.func @transform_7(%arg0: i32, %arg1: i32) -> (i32, i32) {
    %c0_i32 = arith.constant 0 : i32
    %c0_i32_0 = arith.constant 0 : i32
    %c0_i32_1 = arith.constant 0 : i32
    return %c0_i32, %c0_i32_0 : i32, i32
  }
  func.func @transform_8(%arg0: i32, %arg1: i32) -> (i32, i32) {
    %c0_i32 = arith.constant 0 : i32
    %c0_i32_0 = arith.constant 0 : i32
    %c0_i32_1 = arith.constant 0 : i32
    return %c0_i32, %c0_i32_0 : i32, i32
  }
  func.func @transform_9(%arg0: i32, %arg1: i32) -> (i32, i32) {
    %c0_i32 = arith.constant 0 : i32
    %c0_i32_0 = arith.constant 0 : i32
    %c0_i32_1 = arith.constant 0 : i32
    return %c0_i32, %c0_i32_0 : i32, i32
  }
  func.func @transform_10(%arg0: i32, %arg1: i32) -> (i32, i32) {
    %c0_i32 = arith.constant 0 : i32
    %c0_i32_0 = arith.constant 0 : i32
    %c0_i32_1 = arith.constant 0 : i32
    return %c0_i32, %c0_i32_0 : i32, i32
  }
  func.func @transform_11(%arg0: i32, %arg1: i32) -> (i32, i32) {
    %c0_i32 = arith.constant 0 : i32
    %c0_i32_0 = arith.constant 0 : i32
    %c0_i32_1 = arith.constant 0 : i32
    return %c0_i32, %c0_i32_0 : i32, i32
  }
  func.func @transform_12(%arg0: i32, %arg1: i32) -> (i32, i32) {
    %c0_i32 = arith.constant 0 : i32
    %c0_i32_0 = arith.constant 0 : i32
    %c0_i32_1 = arith.constant 0 : i32
    return %c0_i32, %c0_i32_0 : i32, i32
  }
  func.func @transform_13(%arg0: i32, %arg1: i32) -> (i32, i32) {
    %c0_i32 = arith.constant 0 : i32
    %c0_i32_0 = arith.constant 0 : i32
    %c0_i32_1 = arith.constant 0 : i32
    return %c0_i32, %c0_i32_0 : i32, i32
  }
  func.func @transform_14(%arg0: i32, %arg1: i32) -> (i32, i32) {
    %c0_i32 = arith.constant 0 : i32
    %c0_i32_0 = arith.constant 0 : i32
    %c0_i32_1 = arith.constant 0 : i32
    return %c0_i32, %c0_i32_0 : i32, i32
  }
  func.func @transform_15(%arg0: i32, %arg1: i32) -> (i32, i32) {
    %c0_i32 = arith.constant 0 : i32
    %c0_i32_0 = arith.constant 0 : i32
    %c0_i32_1 = arith.constant 0 : i32
    return %c0_i32, %c0_i32_0 : i32, i32
  }
  func.func @transform_16(%arg0: i32, %arg1: i32) -> (i32, i32) {
    %c0_i32 = arith.constant 0 : i32
    %c0_i32_0 = arith.constant 0 : i32
    %c0_i32_1 = arith.constant 0 : i32
    return %c0_i32, %c0_i32_0 : i32, i32
  }
  func.func @transform_17(%arg0: i32, %arg1: i32) -> (i32, i32) {
    %c0_i32 = arith.constant 0 : i32
    %c0_i32_0 = arith.constant 0 : i32
    %c0_i32_1 = arith.constant 0 : i32
    return %c0_i32, %c0_i32_0 : i32, i32
  }
  func.func @transform_18(%arg0: i32, %arg1: i32) -> (i32, i32) {
    %c0_i32 = arith.constant 0 : i32
    %c0_i32_0 = arith.constant 0 : i32
    %c0_i32_1 = arith.constant 0 : i32
    return %c0_i32, %c0_i32_0 : i32, i32
  }
  func.func @transform_19(%arg0: i32, %arg1: i32) -> (i32, i32) {
    %c0_i32 = arith.constant 0 : i32
    %c0_i32_0 = arith.constant 0 : i32
    %c0_i32_1 = arith.constant 0 : i32
    return %c0_i32, %c0_i32_0 : i32, i32
  }
  func.func @transform_20(%arg0: i32, %arg1: i32) -> (i32, i32) {
    %c0_i32 = arith.constant 0 : i32
    %c0_i32_0 = arith.constant 0 : i32
    %c0_i32_1 = arith.constant 0 : i32
    return %c0_i32, %c0_i32_0 : i32, i32
  }
  func.func @transform_21(%arg0: i32, %arg1: i32) -> (i32, i32) {
    %c0_i32 = arith.constant 0 : i32
    %c0_i32_0 = arith.constant 0 : i32
    %c0_i32_1 = arith.constant 0 : i32
    return %c0_i32, %c0_i32_0 : i32, i32
  }
  func.func @transform_22(%arg0: i32, %arg1: i32) -> (i32, i32) {
    %c0_i32 = arith.constant 0 : i32
    %c0_i32_0 = arith.constant 0 : i32
    %c0_i32_1 = arith.constant 0 : i32
    return %c0_i32, %c0_i32_0 : i32, i32
  }
  func.func @transform_23(%arg0: i32, %arg1: i32) -> (i32, i32) {
    %c0_i32 = arith.constant 0 : i32
    %c0_i32_0 = arith.constant 0 : i32
    %c0_i32_1 = arith.constant 0 : i32
    return %c0_i32, %c0_i32_0 : i32, i32
  }
}

</mosaic_0001>

<sc_bundles>
// kernel: kernel.5.cloned.1.call-start
scs
__scs_entry_jumppad:
0x0: {  	(pc) =	sbr.rel $0x88, $3  }
0x1: {  	(tag) =	ssettag $0x0;
	lr =	simm.s32 $0x1  }
0x2: {  	[smem:$0x3F8A] =	sst lr;
	_ =	strace $0xD0000000  }
0x3: {  	_ = 	snop  }
0x4: {  	_ = 	snop  }
0x5: {  	_ = 	snop  }
0x6: {  	_ = 	snop  }
0x7: {  	_ = 	snop  }
__scs_overlays_trampoline_lowered:
0x8: {  	[smem:$0x3F99] =	sst s0  }
0x9: {  	[smem:$0x3F9A] =	sst s1  }
0xa: {  	[smem:$0x3F9B] =	sst s2  }
0xb: {  	[smem:$0x3F9C] =	sst s3  }
0xc: {  	[smem:$0x3F9D] =	sst s4  }
0xd: {  	[smem:$0x3F9E] =	sst s5  }
0xe: {  	[smem:$0x3F9F] =	sst s6  }
0xf: {  	[smem:$0x3FA0] =	sst s7  }
0x10: {  	[smem:$0x3FA1] =	sst s8  }
0x11: {  	[smem:$0x3FA2] =	sst s9;
	s0 =	simm.s32 @!p0 $0x0  }
0x12: {  	s1 =	sld [smem:$0x3F88];
	s0 =	simm.s32 @p0 $0x1  }
0x13: {  	[smem:$0x3FA3] =	sst s0;
	s0 =	simm.s32 @!p1 $0x0  }
0x14: {  	s2 =	sld [smem:$0x3F87];
	s0 =	simm.s32 @p1 $0x1  }
0x15: {  	[smem:$0x3FA4] =	sst s0;
	s0 =	simm.s32 @!p2 $0x0  }
0x16: {  	s3 =	sld [smem:$0x3FDB];
	s0 =	simm.s32 @p2 $0x1  }
0x17: {  	s4 =	simm.s32 $0x1BF5;
	[smem:$0x3FA6] =	sst s0  }
0x18: {  	s0 =	sld [smem:$0x3F89];
	_ =	swait.ge [sflag:s4], $0x0  }
0x19: {  	s7 =	sld [smem:$0x3F8A]  }
0x1a: {  	s8 =	sadd.s32 $0xFFFFE003, lr  }
0x1b: {  	s9 =	sadd.s32 $0xFFFFFEF7, lr;
	s5 =	simm.s32 $0xFFFFFFFF;
	p2 =	slt.u32 s8, $0xFFFFF086  }
0x1c: {  	p1 =	slt.u32 s9, $0xF7A;
	s5 =	simm.s32 @!p2 $0x0  }
0x1d: {  	s5 =	simm.s32 @p1 $0x1;
	p0 =	seq.s32 s7, s2  }
0x1e: {  	s7 =	smul.u32 @!p0 $0xF7A, s2;
	p2 =	seq.s32 @!p0 s5, $0x0  }
0x1f: {  	s9 =	smul.u32 $0xF7A, s1;
	s8 =	simm.s32 @!p0 $0x1BF5;
	p2 =	por !p2, p0  }
0x20: {  	[sflag:s8] =	ssyncset.s32 @!p0 $0xFFFFF086;
	s6 =	sadd.s32 @!p0 s3, s7;
	s7 =	simm.s32 @!p0 $0x108  }
0x21: {  	s3 =	sadd.s32 s3, s9;
	s6 =	sadd.s32 @!p0 $0x88, s6;
	s7 =	simm.s32 @p2 $0x1082  }
0x22: {  	[simem:s7], [sflag:s8] =	dma.local @!p0 [hbm:s6], $0xF7A  }
0x23: {  	s9 =	sor.u32 $0xD0000000, s2;
	s6 =	simm.s32 $0x108;
	_ =	swait.ge @!p0 [sflag:s8], $0x0  }
0x24: {  	s3 =	sadd.s32 $0x88, s3;
	s6 =	simm.s32 @!p1 $0x1082;
	[sflag:s4] =	ssyncset.s32 $0xFFFFF086  }
0x25: {  	[simem:s6], [sflag:s4] =	dma.local [hbm:s3], $0xF7A  }
0x26: {  	[smem:$0x3F8A] =	sst s1;
	(tag) =	ssettag s2;
	_ =	strace s9  }
0x27: {  	s1 =	sld [smem:$0x3F9A]  }
0x28: {  	s2 =	sld [smem:$0x3F9B]  }
0x29: {  	s4 =	sld [smem:$0x3F9D]  }
0x2a: {  	p0 =	seq.s32 s5, $0x0;
	s5 =	sld [smem:$0x3F9E]  }
0x2b: {  	s6 =	sld [smem:$0x3F9F]  }
0x2c: {  	s7 =	sld [smem:$0x3FA0]  }
0x2d: {  	s3 =	simm.s32 $0x108;
	s8 =	sld [smem:$0x3FA1]  }
0x2e: {  	s3 =	simm.s32 @!p0 $0x1082;
	s9 =	sld [smem:$0x3FA2]  }
0x2f: {  	lr =	sadd.s32 s0, s3;
	s0 =	sld [smem:$0x3F99]  }
0x30: {  	s3 =	sld [smem:$0x3F9C]  }
0x31: {  	[smem:$0x3FA5] =	sst s10  }
0x32: {  	s10 =	sld [smem:$0x3FA3];
	_ =	sdelay $0x3  }
0x33: {  	p0 =	seq.s32 s10, $0x1;
	s10 =	sld [smem:$0x3FA5];
	_ =	sdelay $0x3  }
0x34: {  	[smem:$0x3FA5] =	sst s10  }
0x35: {  	s10 =	sld [smem:$0x3FA4];
	_ =	sdelay $0x3  }
0x36: {  	p1 =	seq.s32 s10, $0x1;
	s10 =	sld [smem:$0x3FA5];
	_ =	sdelay $0x3  }
0x37: {  	[smem:$0x3FA5] =	sst s10  }
0x38: {  	s10 =	sld [smem:$0x3FA6]  }
0x39: {  	_ = 	snop;
	(pc) =	sbr.ind lr, $3  }
0x3a: {  	_ = 	snop  }
0x3b: {  	_ = 	snop  }
0x3c: {  	p2 =	seq.s32 s10, $0x1;
	s10 =	sld [smem:$0x3FA5]  }
0x3d: {  	_ =	shalt  }
0x3e: {  	_ =	shalt  }
0x3f: {  	_ =	shalt  }
0x40: {  	_ =	shalt  }
0x41: {  	_ =	shalt  }
0x42: {  	_ =	shalt  }
0x43: {  	_ =	shalt  }
0x44: {  	_ =	shalt  }
0x45: {  	_ =	shalt  }
0x46: {  	_ =	shalt  }
0x47: {  	_ =	shalt  }
0x48: {  	_ =	shalt  }
0x49: {  	_ =	shalt  }
0x4a: {  	_ =	shalt  }
0x4b: {  	_ =	shalt  }
0x4c: {  	_ =	shalt  }
0x4d: {  	_ =	shalt  }
0x4e: {  	_ =	shalt  }
0x4f: {  	_ =	shalt  }
0x50: {  	_ =	shalt  }
0x51: {  	_ =	shalt  }
0x52: {  	_ =	shalt  }
0x53: {  	_ =	shalt  }
0x54: {  	_ =	shalt  }
0x55: {  	_ =	shalt  }
0x56: {  	_ =	shalt  }
0x57: {  	_ =	shalt  }
0x58: {  	_ =	shalt  }
0x59: {  	_ =	shalt  }
0x5a: {  	_ =	shalt  }
0x5b: {  	_ =	shalt  }
0x5c: {  	_ =	shalt  }
0x5d: {  	_ =	shalt  }
0x5e: {  	_ =	shalt  }
0x5f: {  	_ =	shalt  }
0x60: {  	_ =	shalt  }
0x61: {  	_ =	shalt  }
0x62: {  	_ =	shalt  }
0x63: {  	_ =	shalt  }
0x64: {  	_ =	shalt  }
0x65: {  	_ =	shalt  }
0x66: {  	_ =	shalt  }
0x67: {  	_ =	shalt  }
0x68: {  	_ =	shalt  }
0x69: {  	_ =	shalt  }
0x6a: {  	_ =	shalt  }
0x6b: {  	_ =	shalt  }
0x6c: {  	_ =	shalt  }
0x6d: {  	_ =	shalt  }
0x6e: {  	_ =	shalt  }
0x6f: {  	_ =	shalt  }
0x70: {  	_ =	shalt  }
0x71: {  	_ =	shalt  }
0x72: {  	_ =	shalt  }
0x73: {  	_ =	shalt  }
0x74: {  	_ =	shalt  }
0x75: {  	_ =	shalt  }
0x76: {  	_ =	shalt  }
0x77: {  	_ =	shalt  }
0x78: {  	_ =	shalt  }
0x79: {  	_ =	shalt  }
0x7a: {  	_ =	shalt  }
0x7b: {  	_ =	shalt  }
0x7c: {  	_ =	shalt  }
0x7d: {  	_ =	shalt  }
0x7e: {  	_ =	shalt  }
0x7f: {  	_ =	shalt  }
0x80: {  	_ =	shalt  }
0x81: {  	_ =	shalt  }
0x82: {  	_ =	shalt  }
0x83: {  	_ =	shalt  }
0x84: {  	_ =	shalt  }
0x85: {  	_ =	shalt  }
0x86: {  	_ =	shalt  }
0x87: {  	_ =	shalt  }
.Lfunc_end0:
.L_simem_size_0:
called_computation_lowered:
.L_overlay_start_0:
0x88: {  	s2 =	sld [smem:$0x3FD9]  }
0x89: {  	s3 =	sld [smem:$0x3FFE];
	_ =	sdelay $0x1  }
0x8a: {  	s1 =	srdreg.scid  }
0x8b: {  	s0 =	sand.u32 $0x1, s1  }
0x8c: {  	s16 =	sshll.u32 s0, $0xA;
	s2 =	sadd.s32 s3, s2  }
0x8d: {  	s2 =	sadd.s32 s2, s16  }
0x8e: {  	[smem:$0x3FB1] =	sst s2  }
0x8f: {  	_ = 	snop  }
0x90: {  	(tm) =	ssettm $0x1  }
0x91: {  	s17 =	sld [smem:$0x3FFB];
	_ =	sdelay $0x3  }
0x92: {  	_ =	strace s17  }
0x93: {  	s2 =	sld [smem:$0x3FFC];
	_ =	sdelay $0x3  }
0x94: {  	_ =	strace s2  }
0x95: {  	s2 =	sld [smem:$0x3FFD];
	_ =	sdelay $0x3  }
0x96: {  	_ =	strace s2  }
0x97: {  	_ =	strace $0x8FFFFFFF  }
0x98: {  	s18 =	sld [smem:$0x3FDB];
	_ =	sdelay $0x1  }
0x99: {  	s19 =	simm.s32 $_scs_section_size  }
0x9a: {  	s4 =	simm.s32 $_size__tile_overlayer_lowered;
	s5 =	simm.s32 $_tile_overlayer_lowered  }
0x9b: {  	s22 =	simm.s32 $0x1BFF;
	s21 =	sshll.u32 s5, $0x1;
	s2 =	sadd.s32 s19, s18  }
0x9c: {  	s6 =	simm.s32 $0x0;
	s20 =	sshll.u32 s4, $0x1;
	s4 =	sadd.s32 s21, s2  }
0x9d: {  	[timem:s6], [sflag:s22] =	dma.local [hbm:s4], s20  }
0x9e: {  	_ =	swait.ge [sflag:s22], s20  }
0x9f: {  	s3 =	ssub.s32 $0x0, s20;
	[sflag:s22] =	ssyncset.done $0x0  }
0xa0: {  	[sflag:s22] =	ssyncadd.s32 s3;
	_ =	sdelay $0x1  }
0xa1: {  	s23 =	simm.s32 $0x1B8B  }
0xa2: {  	_ =	swait.ge [sflag:s23], $0x1  }
0xa3: {  	[sflag:s23] =	ssyncset.done $0x0  }
0xa4: {  	s25 =	simm.s32 $0x1B8E;
	s24 =	sld [smem:$0x3FFE];
	[sflag:s23] =	ssyncadd.s32 $0xFFFFFFFF  }
0xa5: {  	s26 =	simm.s32 $execute0_lowered;
	[smem:$0x3FD2] =	sst s25  }
0xa6: {  	s4 =	sshll.u32 s26, $0x1;
	_ =	strace $0x80000046;
	[dreg:$0x1] =	wrdreg $0xFFFFFFFF  }
0xa7: {  	s28 =	simm.s32 $_size_execute0_lowered;
	s2 =	sadd.s32 s2, s4;
	[dreg:$0x0] =	wrdreg $0x0  }
0xa8: {  	s4 =	sshll.u32 s28, $0x1;
	[dreg:$0x2] =	wrdreg s2  }
0xa9: {  	[dreg:$0x3] =	wrdreg s4  }
0xaa: {  	[dreg:$0x4] =	wrdreg $0xC0  }
0xab: {  	_ =	task [dreg:s6], $0x5FFFF  }
0xac: {  	[dreg:$0x1] =	wrdreg $0xFFFFFFFF  }
0xad: {  	[dreg:$0x0] =	wrdreg $0x60  }
0xae: {  	[dreg:$0x2] =	wrdreg s24  }
0xaf: {  	[dreg:$0x3] =	wrdreg $0x6F400  }
0xb0: {  	[dreg:$0x4] =	wrdreg $0x9  }
0xb1: {  	_ =	task.clear_ibuf [dreg:s6], $0x5FFFF;
	_ =	strace $0x90000046  }
0xb2: {  	s29 =	simm.s32 $0x9;
	_ =	strace $0x80000048  }
0xb3: {  	_ =	swait.ge [sflag:s29], $0x1  }
0xb4: {  	[sflag:s29] =	ssyncadd.s32 $0xFFFFFFFF  }
0xb5: {  	_ =	strace $0x90000048  }
0xb6: {  	_ =	sfence  }
0xb7: {  	s30 =	sld [smem:$0x0];
	_ =	sdelay $0x2  }
0xb8: {  	s31 =	sshll.u32 s1, $0xD;
	s1 =	sshrl.u32 s1, $0x2  }
0xb9: {  	s3 =	sand.u32 $0x4000, s31;
	s1 =	sadd.s32 s1, s30  }
0xba: {  	s0 =	sor.u32 s3, s0;
	s1 =	sshll.u32 s1, $0x11  }
0xbb: {  	s0 =	sor.u32 s1, s0  }
0xbc: {  	s0 =	sadd.s32 $0x8F2B, s0  }
0xbd: {  	[sflag:s0] =	ssyncadd.remote.s32 $0x1  }
0xbe: {  	_ =	sfence.sel $0xFFFF  }
0xbf: {  	[dreg:$0x0] =	wrdreg $0xFFFFFFFF;
	(pc) =	sbr.abs _section_cstart, $3  }
0xc0: {  	[dreg:$0x1] =	wrdreg $0xFFFFFFFF  }
0xc1: {  	_ =	task.clear_ibuf [dreg:s6], $0x2FFFF;
	_ =	strace $0x9FFFFFFF  }
0xc2: {  	(tm) =	ssettm $0x7FFFFFFF  }
0xc3: {  	_ =	shalt  }
tec
execute0_lowered:
.L_overlay_start_1:
0x0: {  	(tag) =	ssettag $0x1  }
0x1: {  	s0 =	srdreg.scid;
	s6 =	rddreg [dreg:$0x0]  }
0x2: {  	s1 =	rddreg [dreg:$0x1];
	s15 =	stileid.u32  }
0x3: {  	s2 =	simm.s32 $0x0;
	s4 =	sand.u32 $0x1, s0;
	s0 =	rddreg [dreg:$0x2]  }
0x4: {  	s12 =	simm.s32 $0x5000;
	s13 =	simm.s32 $0x1;
	[smem:$0x7FF] =	sst s2  }
0x5: {  	s11 =	smul.u32 $0x9C40, s15;
	s31 =	sadd.s32 $0x21400, s6;
	p0 =	sne.s32 s15, $0x0  }
0x6: {  	s3 =	sshll.u32 s4, $0x4;
	_ =	strace $0x80000047;
	s7 =	smul.u32 $0x13880, s4  }
0x7: {  	s8 =	ssub.s32 $0x2, s4;
	s4 =	sadd.s32 $0x2B400, s6;
	s3 =	sor.u32 s15, s3  }
0x8: {  	s10 =	sshrl.u32 s8, $0x1;
	s16 =	sshrl.u32 s11, $0x3;
	s17 =	sadd.s32 s11, s1  }
0x9: {  	s11 =	simm.s32 $0x7D;
	s15 =	sshll.u32 s15, $0x6;
	s9 =	smul.u32 $0x500, s3  }
0xa: {  	s3 =	sadd.s32 $0x3A00, s6;
	s7 =	sadd.s32 s7, s6;
	s8 =	ssub.s32 s8, s10  }
0xb: {  	s10 =	simm.s32 $0x2800;
	s15 =	sor.u32 $0x1C02, s15;
	s14 =	sadd.s32 $0x3EE00, s7  }
0xc: {  	s7 =	sshrl.u32 @!p0 s1, $0x3;
	s5 =	sadd.s32 s9, s6;
	s6 =	smax.u32 s8, $0x1  }
0xd: {  	s8 =	simm.s32 $0x2;
	s9 =	sadd.s32 s9, s31;
	s14 =	sadd.s32 s16, s14  }
0xe: {  	s16 =	sshrl.u32 s17, $0x3;
	s17 =	simm.s32 $0x0;
	s5 =	sadd.s32 $0x17400, s5  }
.LBB2_1:
0xf: {  	s18 =	simm.s32 @!p0 $0x1C02  }
0x10: {  	[spmem:s7], [sflag:s18] =	dma.local @!p0 [hbm:s4], $0x13880  }
0x11: {  	s18 =	simm.s32 @!p0 $0x2  }
0x12: {  	_ =	swait.ge @!p0 [sflag:s18], $0x13880  }
0x13: {  	[sflag:s18] =	ssyncset.done @!p0 $0x0  }
0x14: {  	[sflag:s18] =	ssyncadd.s32 @!p0 $0xFFFEC780  }
0x15: {  	[tilespmem:s2], [sflag:$0x2] =	stream.linear.gather [hbm4b:s5+s2], $0x2800, $0x38;
	[tilespmem:$0x10B80] =	vst v63  }
0x16: {  	_ =	swait.ge [sflag:s8], $0x2800  }
0x17: {  	[sflag:s8] =	ssyncset.done $0x0  }
0x18: {  	[sflag:s8] =	ssyncadd.s32 $0xFFFFD800  }
0x19: {  	[tilespmem:s10], [sflag:$0x2] =	stream.linear.gather [hbm4b:s9+s2], $0x2800, $0x38;
	[tilespmem:$0x10B80] =	vst v63  }
0x1a: {  	_ =	swait.ge [sflag:s8], $0x2800  }
0x1b: {  	[sflag:s8] =	ssyncset.done $0x0  }
0x1c: {  	[sflag:s8] =	ssyncadd.s32 $0xFFFFD800  }
0x1d: {  	s30 =	simm.s32 $0x0;
	[bflag:$0x0] =	sbarrier.arrive $0xFFFF  }
0x1e: {  	[tilespmem:s12], [sflag:$0x1] =	stream.indirect.gather [hbm4b:s3+s11], $0x40, s30, s11, $0xb8;
	[tilespmem:$0x10B80] =	vst v63  }
0x1f: {  	_ =	swait.ge [sflag:s13], $0x1F40  }
0x20: {  	[sflag:s13] =	ssyncset.done $0x0  }
0x21: {  	s31 =	simm.s32 $0x2800;
	[sflag:s13] =	ssyncadd.s32 $0xFFFFE0C0  }
0x22: {  	[spmem:s1] =	stream.indirect.scatter.add.f32 [tilespmem:s12], [sflag:$0x2], $0x40, s31, s11, $0xb8;
	[tilespmem:$0x10B80] =	vst v63  }
0x23: {  	_ =	swait.ge [sflag:s8], $0x1F40  }
0x24: {  	s19 =	simm.s32 $0x400;
	s18 =	simm.s32 $0x200;
	[sflag:s8] =	ssyncset.done $0x0  }
.LBB2_2:
0x25: {  	s20 =	sshra.s32 s18, $0x2  }
0x26: {  	[sflag:s8] =	ssyncadd.s32 $0xFFFFE0C0;
	s18 =	smov.u32 s19;
	s21 =	sadd.s32 $0x200, s19  }
0x27: {  	[tilespmem:s12], [sflag:$0x1] =	stream.indirect.gather [hbm4b:s3+s11], $0x40, s20, s11, $0xb8;
	[tilespmem:$0x10B80] =	vst v63  }
0x28: {  	p1 =	sne.s32 s19, $0x9E00;
	_ =	swait.ge [sflag:s13], $0x1F40  }
.Ltmp0:
0x29: {  	[sflag:s13] =	ssyncset.done $0x0;
	(pc) =	sbr.rel @p1 .LBB2_2-.Ltmp0, $4  }
0x2a: {  	s19 =	sadd.s32 $0x2800, s20;
	[sflag:s13] =	ssyncadd.s32 $0xFFFFE0C0  }
0x2b: {  	[spmem:s1] =	stream.indirect.scatter.add.f32 [tilespmem:s12], [sflag:$0x2], $0x40, s19, s11, $0xb8;
	[tilespmem:$0x10B80] =	vst v63  }
0x2c: {  	_ =	swait.ge [sflag:s8], $0x1F40  }
0x2d: {  	s19 =	smov.u32 s21;
	[sflag:s8] =	ssyncset.done $0x0  }
0x2e: {  	s18 =	sshra.s32 s18, $0x2;
	[sflag:s8] =	ssyncadd.s32 $0xFFFFE0C0  }
0x2f: {  	[tilespmem:s12], [sflag:$0x1] =	stream.indirect.gather [hbm4b:s3+s11], $0x40, s18, s11, $0xb8;
	[tilespmem:$0x10B80] =	vst v63  }
0x30: {  	_ =	swait.ge [sflag:s13], $0x1F40  }
0x31: {  	[sflag:s13] =	ssyncset.done $0x0  }
0x32: {  	s18 =	sadd.s32 $0x2800, s18;
	[sflag:s13] =	ssyncadd.s32 $0xFFFFE0C0  }
0x33: {  	[spmem:s1] =	stream.indirect.scatter.add.f32 [tilespmem:s12], [sflag:$0x2], $0x40, s18, s11, $0xb8;
	[tilespmem:$0x10B80] =	vst v63  }
0x34: {  	_ =	swait.ge [sflag:s8], $0x1F40  }
0x35: {  	s17 =	sadd.s32 $0x1, s17;
	[sflag:s8] =	ssyncset.done $0x0  }
0x36: {  	p1 =	sne.s32 s17, s6;
	[sflag:s8] =	ssyncadd.s32 $0xFFFFE0C0  }
.Ltmp1:
0x37: {  	[bflag:$0x0] =	sbarrier.arrive $0xFFFF;
	(pc) =	sbr.rel @p1 .LBB2_1-.Ltmp1, $4  }
0x38: {  	[hbm:s14], [sflag:s15] =	dma.local [spmem:s16], $0x1388  }
0x39: {  	_ =	swait.ge [sflag:s8], $0x1388  }
0x3a: {  	[sflag:s8] =	ssyncset.done $0x0  }
0x3b: {  	[sflag:s8] =	ssyncadd.s32 $0xFFFFEC78  }
0x3c: {  	_ =	sfence.sel $0x180000  }
0x3d: {  	[bflag:$0x0] =	sbarrier.arrive $0xFFFF  }
0x3e: {  	_ =	strace $0x90000047  }
0x3f: {  	s0 =	sadd.s32 @!p0 $0x100000, s0;
	[bflag:$0x2] =	sbarrier.arrive $0xFFFF  }
0x40: {  	[sflag:s0] =	ssyncadd.tile.s32 @!p0 $0x1;
	_ =	shalt  }
.Lfunc_end2:
_tile_overlayer_lowered:
.L_overlay_start_2:
0x41: {  	(tag) =	ssettag $0x2  }
0x42: {  	s0 =	rddreg [dreg:$0x0];
	s2 =	stileid.u32  }
0x43: {  	s1 =	rddreg [dreg:$0x1];
	p0 =	sne.s32 s2, $0x0  }
0x44: {  	s3 =	rddreg [dreg:$0x2];
	[bflag:$0x3] =	sbarrier.arrive $0xFFFF;
	s2 =	simm.s32 @!p0 $0x1C02  }
0x45: {  	[timem:s3], [sflag:s2] =	dma.local @!p0 [hbm:s0], s1  }
0x46: {  	s0 =	simm.s32 @!p0 $0x2  }
0x47: {  	_ =	swait.ge @!p0 [sflag:s0], s1  }
0x48: {  	s1 =	ssub.s32 @!p0 $0x0, s1;
	[sflag:s0] =	ssyncset.done @!p0 $0x0  }
0x49: {  	[sflag:s0] =	ssyncadd.s32 @!p0 s1  }
0x4a: {  	[bflag:$0x3] =	sbarrier.arrive $0xFFFF  }
0x4b: {  	_ =	shalt  }

</sc_bundles>
